<compile_context>
chip_gen: v7x
topology: tpu7x:2x2x1
jax: 0.10.2.dev20260603
libtpu: 0.0.44.dev20260713+nightly
codegen_flags: <defaults>
</compile_context>

<pallas_src>
import functools
import math

import jax
import jax.numpy as jnp
from jax import lax
from jax.experimental import pallas as pl
from jax.experimental.pallas import tpu as pltpu
from jax.experimental.pallas import tpu_sc as plsc

NUM_NODES = 100000
H_DIM = 256
CHUNK = 40
NUM_CHUNKS = NUM_NODES // CHUNK
NC = 2
NS = 16
NW = NC * NS
BASE_CHUNKS = NUM_CHUNKS // NW
EXTRA_W = NUM_CHUNKS - BASE_CHUNKS * NW
MAX_CHUNKS = BASE_CHUNKS + 1
NBUF = 8
SBUF = 4
LOOKAHEAD = 4
PERIOD = math.lcm(NBUF, SBUF)
NSUPER = -(-(MAX_CHUNKS + SBUF) // PERIOD)

_mesh = plsc.VectorSubcoreMesh(core_axis_name="c", subcore_axis_name="s")


@functools.partial(
    pl.kernel,
    mesh=_mesh,
    out_type=jax.ShapeDtypeStruct((NUM_NODES, H_DIM), jnp.float32),
    scratch_types=[pltpu.VMEM((MAX_CHUNKS * CHUNK,), jnp.int32)]
    + [pltpu.VMEM((CHUNK, H_DIM), jnp.float32) for _ in range(NBUF)]
    + [pltpu.VMEM_SHARED((NS * SBUF * CHUNK, H_DIM), jnp.float32)]
    + [pltpu.SemaphoreType.DMA for _ in range(NBUF + 2 * SBUF)],
)
def _gather_kernel(idx_hbm, table_hbm, out_hbm, idx_all, *scratch):
    rows = list(scratch[:NBUF])
    spm_all = scratch[NBUF]
    sems = scratch[NBUF + 1:]
    gsem = list(sems[:NBUF])
    psem = list(sems[NBUF:NBUF + SBUF])
    wsem = list(sems[NBUF + SBUF:])

    sid = lax.axis_index("s")
    w = lax.axis_index("s") * NC + lax.axis_index("c")
    lo = BASE_CHUNKS * w + jnp.minimum(w, EXTRA_W)
    n_w = BASE_CHUNKS + jnp.where(w < EXTRA_W, 1, 0)

    base_el = lo * CHUNK
    n_base = BASE_CHUNKS * CHUNK
    pltpu.sync_copy(idx_hbm.at[pl.ds(base_el, n_base)],
                    idx_all.at[pl.ds(0, n_base)])

    @pl.when(w < EXTRA_W)
    def _():
        pltpu.sync_copy(idx_hbm.at[pl.ds(base_el + n_base, CHUNK)],
                        idx_all.at[pl.ds(n_base, CHUNK)])

    def gather_desc(j, b):
        off = pl.multiple_of(j * CHUNK, CHUNK)
        idx_slice = idx_all.at[pl.ds(off, CHUNK)]
        return pltpu.make_async_copy(table_hbm.at[idx_slice], rows[b],
                                     gsem[b])

    def spm_slot(s):
        off = pl.multiple_of((sid * SBUF + s) * CHUNK, CHUNK)
        return spm_all.at[pl.ds(off, CHUNK)]

    def push_desc(b, s):
        return pltpu.make_async_copy(rows[b], spm_slot(s), psem[s])

    def write_desc(j, s):
        dst = out_hbm.at[pl.ds((lo + j) * CHUNK, CHUNK)]
        return pltpu.make_async_copy(spm_slot(s), dst, wsem[s])

    for j in range(LOOKAHEAD):
        gather_desc(j, j % NBUF).start()

    def super_ring(it, carry):
        for p in range(PERIOD):
            jb = it * PERIOD + p
            b = p % NBUF
            s = p % SBUF
            jn = jb + LOOKAHEAD

            @pl.when(jn < n_w)
            def _(j=jn, b=(p + LOOKAHEAD) % NBUF):
                gather_desc(j, b).start()

            @pl.when((jb >= SBUF) & (jb - SBUF < n_w))
            def _(j=jb - SBUF, s=s):
                write_desc(j, s).wait()

            @pl.when(jb < n_w)
            def _(j=jb, b=b, s=s):
                gather_desc(j, b).wait()
                push_desc(b, s).start()

            @pl.when((jb >= 1) & (jb - 1 < n_w))
            def _(j=jb - 1, b=(p - 1) % NBUF, s=(p - 1) % SBUF):
                push_desc(b, s).wait()
                write_desc(j, s).start()

        return carry

    lax.fori_loop(0, NSUPER, super_ring, 0)


def kernel(node_id, weight, incidence_in, incidence_out, table):
    node_id = jnp.squeeze(node_id)
    h = _gather_kernel(node_id, table)
    return (weight, h)

# --- scband reference (transcript-rebuilt; emitter-appended) ---
"""Pipeline reference for scband-embedding-layer-61357902790969 (READ-ONLY COPY).

The authoritative reference and input builder live on the scoring server;
editing this copy changes nothing except your own understanding.
"""

import jax, jax.numpy as jnp
import numpy as np

NUM_NODES = 100000
H_DIM = 256
NUM_RELS = 16


def setup_inputs(seed: int = 0) -> dict:
    key = jax.random.key(seed)
    k1, k2, k3, k4 = jax.random.split(key, 4)
    # g.ndata['id'] in the original DGL graph: one integer id per node
    node_id = jnp.arange(NUM_NODES, dtype=jnp.int32)
    # relation weight tensor that is passed through unchanged
    weight = jax.random.normal(k1, (NUM_RELS, H_DIM, H_DIM), dtype=jnp.float32)
    # incidence matrices are unused by forward; modest placeholders
    incidence_in = jax.random.normal(k2, (1024, 1024), dtype=jnp.float32)
    incidence_out = jax.random.normal(k3, (1024, 1024), dtype=jnp.float32)
    # learned parameter: nn.Embedding(num_nodes, h_dim) table
    table = jax.random.normal(k4, (NUM_NODES, H_DIM), dtype=jnp.float32) * 0.02
    return {
        'node_id': node_id,
        'weight': weight,
        'incidence_in': incidence_in,
        'incidence_out': incidence_out,
        'table': table,
    }


def reference(node_id, weight, incidence_in, incidence_out, table):
    # Original forward:
    #   node_id = g.ndata['id'].squeeze()
    #   g.ndata['h'] = self.embedding(node_id)   (side effect on graph)
    #   return weight
    # The side-effect write g.ndata['h'] is materialized as the second output h.
    node_id = jnp.squeeze(node_id)
    h = jnp.take(table, node_id, axis=0)
    return (weight, h)

if __name__ == "__main__":
    import jax
    _d = setup_inputs()
    print(jax.jit(kernel)(*tuple(_d.values())))

</pallas_src>

<mosaic_0001>
#map = affine_map<(d0, d1) -> (0)>
#map1 = affine_map<(d0, d1) -> (0, 0)>
module attributes {stable_mosaic.version = 14 : i64} {
  func.func @_gather_kernel(%arg0: i32, %arg1: i32, %arg2: memref<100000xi32, #tpu.memory_space<hbm>>, %arg3: memref<100000x256xf32, #tpu.memory_space<hbm>>, %arg4: memref<100000x256xf32, #tpu.memory_space<hbm>>, %arg5: memref<3160xi32, #tpu.memory_space<vmem>>, %arg6: memref<40x256xf32, #tpu.memory_space<vmem>>, %arg7: memref<40x256xf32, #tpu.memory_space<vmem>>, %arg8: memref<40x256xf32, #tpu.memory_space<vmem>>, %arg9: memref<40x256xf32, #tpu.memory_space<vmem>>, %arg10: memref<40x256xf32, #tpu.memory_space<vmem>>, %arg11: memref<40x256xf32, #tpu.memory_space<vmem>>, %arg12: memref<40x256xf32, #tpu.memory_space<vmem>>, %arg13: memref<40x256xf32, #tpu.memory_space<vmem>>, %arg14: memref<2560x256xf32, #tpu.memory_space<vmem_shared>>, %arg15: memref<!tpu.dma_semaphore, #tpu.memory_space<semaphore_mem>>, %arg16: memref<!tpu.dma_semaphore, #tpu.memory_space<semaphore_mem>>, %arg17: memref<!tpu.dma_semaphore, #tpu.memory_space<semaphore_mem>>, %arg18: memref<!tpu.dma_semaphore, #tpu.memory_space<semaphore_mem>>, %arg19: memref<!tpu.dma_semaphore, #tpu.memory_space<semaphore_mem>>, %arg20: memref<!tpu.dma_semaphore, #tpu.memory_space<semaphore_mem>>, %arg21: memref<!tpu.dma_semaphore, #tpu.memory_space<semaphore_mem>>, %arg22: memref<!tpu.dma_semaphore, #tpu.memory_space<semaphore_mem>>, %arg23: memref<!tpu.dma_semaphore, #tpu.memory_space<semaphore_mem>>, %arg24: memref<!tpu.dma_semaphore, #tpu.memory_space<semaphore_mem>>, %arg25: memref<!tpu.dma_semaphore, #tpu.memory_space<semaphore_mem>>, %arg26: memref<!tpu.dma_semaphore, #tpu.memory_space<semaphore_mem>>, %arg27: memref<!tpu.dma_semaphore, #tpu.memory_space<semaphore_mem>>, %arg28: memref<!tpu.dma_semaphore, #tpu.memory_space<semaphore_mem>>, %arg29: memref<!tpu.dma_semaphore, #tpu.memory_space<semaphore_mem>>, %arg30: memref<!tpu.dma_semaphore, #tpu.memory_space<semaphore_mem>>) attributes {dimension_semantics = [#tpu.dimension_semantics<core_parallel>, #tpu.dimension_semantics<subcore_parallel>], iteration_bounds = array<i64: 2, 16>, scalar_prefetch = 0 : i64, scratch_operands = 26 : i64, tpu.core_type = #tpu.core_type<sc_vector_subcore>, window_params = [{transform_indices = #map}, {transform_indices = #map1}, {transform_indices = #map1}]} {
    %mul3A = arith.constant 2 : i32
    %mul3A_0 = arith.muli %arg1, %mul3A : i32
    %add3A = arith.addi %mul3A_0, %arg0 : i32
    %mul3A_1 = arith.constant 78 : i32
    %mul3A_2 = arith.muli %mul3A_1, %add3A : i32
    %min3A = arith.constant 4 : i32
    %min3A_3 = arith.minsi %add3A, %min3A : i32
    %add3A_4 = arith.addi %mul3A_2, %min3A_3 : i32
    %lt3A = arith.constant 4 : i32
    %lt3A_5 = arith.cmpi slt, %add3A, %lt3A : i32
    %jit3A = arith.constant 1 : i32
    %jit3A_6 = arith.constant 0 : i32
    %select_n3A = arith.select %lt3A_5, %jit3A, %jit3A_6 : i32
    %add3A_7 = arith.constant 78 : i32
    %add3A_8 = arith.addi %add3A_7, %select_n3A : i32
    %mul3A_9 = arith.constant 40 : i32
    %mul3A_10 = arith.muli %add3A_4, %mul3A_9 : i32
    "tpu.region"() ({
      %run_scoped3A = tpu.sem_alloc : memref<!tpu.dma_semaphore, #tpu.memory_space<semaphore_mem>>
      %dma_start3A_41 = arith.constant 0 : i32
      %dma_start3A_42 = tpu.memref_slice %arg5[%dma_start3A_41] : memref<3160xi32, #tpu.memory_space<vmem>> -> memref<3120xi32, #tpu.memory_space<vmem>>
      %dma_start3A_43 = tpu.memref_slice %arg2[%mul3A_10] : memref<100000xi32, #tpu.memory_space<hbm>> -> memref<3120xi32, #tpu.memory_space<hbm>>
      %dma_start3A_44 = arith.constant 0 : i32
      %dma_start3A_45 = tpu.memref_slice %arg5[%dma_start3A_44] : memref<3160xi32, #tpu.memory_space<vmem>> -> memref<3120xi32, #tpu.memory_space<vmem>>
      %dma_start3A_46 = tpu.memref_slice %arg2[%mul3A_10] : memref<100000xi32, #tpu.memory_space<hbm>> -> memref<3120xi32, #tpu.memory_space<hbm>>
      tpu.enqueue_dma source(%dma_start3A_46 : memref<3120xi32, #tpu.memory_space<hbm>>) target(%dma_start3A_45 : memref<3120xi32, #tpu.memory_space<vmem>>) target_semaphore(%run_scoped3A : memref<!tpu.dma_semaphore, #tpu.memory_space<semaphore_mem>>)
      %dma_wait3A = arith.constant 0 : i32
      %dma_wait3A_47 = tpu.memref_slice %arg5[%dma_wait3A] : memref<3160xi32, #tpu.memory_space<vmem>> -> memref<3120xi32, #tpu.memory_space<vmem>>
      %dma_wait3A_48 = tpu.memref_slice %arg2[%mul3A_10] : memref<100000xi32, #tpu.memory_space<hbm>> -> memref<3120xi32, #tpu.memory_space<hbm>>
      %dma_wait3A_49 = arith.constant 0 : i32
      %dma_wait3A_50 = tpu.memref_slice %arg5[%dma_wait3A_49] : memref<3160xi32, #tpu.memory_space<vmem>> -> memref<3120xi32, #tpu.memory_space<vmem>>
      %dma_wait3A_51 = tpu.memref_slice %arg2[%mul3A_10] : memref<100000xi32, #tpu.memory_space<hbm>> -> memref<3120xi32, #tpu.memory_space<hbm>>
      tpu.wait_dma2 semaphore(%run_scoped3A : memref<!tpu.dma_semaphore, #tpu.memory_space<semaphore_mem>>) src(%dma_wait3A_51 : memref<3120xi32, #tpu.memory_space<hbm>>) dst(%dma_wait3A_50 : memref<3120xi32, #tpu.memory_space<vmem>>)
      tpu.yield
    }) : () -> ()
    %lt3A_11 = arith.constant 4 : i32
    %lt3A_12 = arith.cmpi slt, %add3A, %lt3A_11 : i32
    %convert_element_type3A = arith.extui %lt3A_12 : i1 to i32
    %cond3A = arith.constant 0 : i32
    %cond3A_13 = arith.cmpi ne, %convert_element_type3A, %cond3A : i32
    scf.if %cond3A_13 {
      %add3A_41 = arith.constant 3120 : i32
      %add3A_42 = arith.addi %mul3A_10, %add3A_41 : i32
      "tpu.region"() ({
        %run_scoped3A = tpu.sem_alloc : memref<!tpu.dma_semaphore, #tpu.memory_space<semaphore_mem>>
        %dma_start3A_43 = arith.constant 3120 : i32
        %dma_start3A_44 = tpu.memref_slice %arg5[%dma_start3A_43] : memref<3160xi32, #tpu.memory_space<vmem>> -> memref<40xi32, #tpu.memory_space<vmem>>
        %dma_start3A_45 = tpu.memref_slice %arg2[%add3A_42] : memref<100000xi32, #tpu.memory_space<hbm>> -> memref<40xi32, #tpu.memory_space<hbm>>
        %dma_start3A_46 = arith.constant 3120 : i32
        %dma_start3A_47 = tpu.memref_slice %arg5[%dma_start3A_46] : memref<3160xi32, #tpu.memory_space<vmem>> -> memref<40xi32, #tpu.memory_space<vmem>>
        %dma_start3A_48 = tpu.memref_slice %arg2[%add3A_42] : memref<100000xi32, #tpu.memory_space<hbm>> -> memref<40xi32, #tpu.memory_space<hbm>>
        tpu.enqueue_dma source(%dma_start3A_48 : memref<40xi32, #tpu.memory_space<hbm>>) target(%dma_start3A_47 : memref<40xi32, #tpu.memory_space<vmem>>) target_semaphore(%run_scoped3A : memref<!tpu.dma_semaphore, #tpu.memory_space<semaphore_mem>>)
        %dma_wait3A = arith.constant 3120 : i32
        %dma_wait3A_49 = tpu.memref_slice %arg5[%dma_wait3A] : memref<3160xi32, #tpu.memory_space<vmem>> -> memref<40xi32, #tpu.memory_space<vmem>>
        %dma_wait3A_50 = tpu.memref_slice %arg2[%add3A_42] : memref<100000xi32, #tpu.memory_space<hbm>> -> memref<40xi32, #tpu.memory_space<hbm>>
        %dma_wait3A_51 = arith.constant 3120 : i32
        %dma_wait3A_52 = tpu.memref_slice %arg5[%dma_wait3A_51] : memref<3160xi32, #tpu.memory_space<vmem>> -> memref<40xi32, #tpu.memory_space<vmem>>
        %dma_wait3A_53 = tpu.memref_slice %arg2[%add3A_42] : memref<100000xi32, #tpu.memory_space<hbm>> -> memref<40xi32, #tpu.memory_space<hbm>>
        tpu.wait_dma2 semaphore(%run_scoped3A : memref<!tpu.dma_semaphore, #tpu.memory_space<semaphore_mem>>) src(%dma_wait3A_53 : memref<40xi32, #tpu.memory_space<hbm>>) dst(%dma_wait3A_52 : memref<40xi32, #tpu.memory_space<vmem>>)
        tpu.yield
      }) : () -> ()
    } else {
    }
    %multiple_of3A = arith.constant 0 : i32
    %multiple_of3A_14 = tpu.assume_multiple %multiple_of3A, 40 : i32
    %dma_start3A = tpu.memref_slice %arg5[%multiple_of3A_14] : memref<3160xi32, #tpu.memory_space<vmem>> -> memref<40xi32, #tpu.memory_space<vmem>>
    %dma_start3A_15 = arith.constant 0 : i32
    %dma_start3A_16 = arith.constant 0 : i32
    %dma_start3A_17 = tpu.memref_slice %arg3[%dma_start3A_15, %dma_start3A_16] : memref<100000x256xf32, #tpu.memory_space<hbm>> -> memref<100000x256xf32, #tpu.memory_space<hbm>>
    tpu.enqueue_indirect_dma source(%dma_start3A_17 : memref<100000x256xf32, #tpu.memory_space<hbm>>) target(%arg6 : memref<40x256xf32, #tpu.memory_space<vmem>>) offsets(%dma_start3A : memref<40xi32, #tpu.memory_space<vmem>>) semaphore(%arg15 : memref<!tpu.dma_semaphore, #tpu.memory_space<semaphore_mem>>)
    %multiple_of3A_18 = arith.constant 40 : i32
    %multiple_of3A_19 = tpu.assume_multiple %multiple_of3A_18, 40 : i32
    %dma_start3A_20 = tpu.memref_slice %arg5[%multiple_of3A_19] : memref<3160xi32, #tpu.memory_space<vmem>> -> memref<40xi32, #tpu.memory_space<vmem>>
    %dma_start3A_21 = arith.constant 0 : i32
    %dma_start3A_22 = arith.constant 0 : i32
    %dma_start3A_23 = tpu.memref_slice %arg3[%dma_start3A_21, %dma_start3A_22] : memref<100000x256xf32, #tpu.memory_space<hbm>> -> memref<100000x256xf32, #tpu.memory_space<hbm>>
    tpu.enqueue_indirect_dma source(%dma_start3A_23 : memref<100000x256xf32, #tpu.memory_space<hbm>>) target(%arg7 : memref<40x256xf32, #tpu.memory_space<vmem>>) offsets(%dma_start3A_20 : memref<40xi32, #tpu.memory_space<vmem>>) semaphore(%arg16 : memref<!tpu.dma_semaphore, #tpu.memory_space<semaphore_mem>>)
    %multiple_of3A_24 = arith.constant 80 : i32
    %multiple_of3A_25 = tpu.assume_multiple %multiple_of3A_24, 40 : i32
    %dma_start3A_26 = tpu.memref_slice %arg5[%multiple_of3A_25] : memref<3160xi32, #tpu.memory_space<vmem>> -> memref<40xi32, #tpu.memory_space<vmem>>
    %dma_start3A_27 = arith.constant 0 : i32
    %dma_start3A_28 = arith.constant 0 : i32
    %dma_start3A_29 = tpu.memref_slice %arg3[%dma_start3A_27, %dma_start3A_28] : memref<100000x256xf32, #tpu.memory_space<hbm>> -> memref<100000x256xf32, #tpu.memory_space<hbm>>
    tpu.enqueue_indirect_dma source(%dma_start3A_29 : memref<100000x256xf32, #tpu.memory_space<hbm>>) target(%arg8 : memref<40x256xf32, #tpu.memory_space<vmem>>) offsets(%dma_start3A_26 : memref<40xi32, #tpu.memory_space<vmem>>) semaphore(%arg17 : memref<!tpu.dma_semaphore, #tpu.memory_space<semaphore_mem>>)
    %multiple_of3A_30 = arith.constant 120 : i32
    %multiple_of3A_31 = tpu.assume_multiple %multiple_of3A_30, 40 : i32
    %dma_start3A_32 = tpu.memref_slice %arg5[%multiple_of3A_31] : memref<3160xi32, #tpu.memory_space<vmem>> -> memref<40xi32, #tpu.memory_space<vmem>>
    %dma_start3A_33 = arith.constant 0 : i32
    %dma_start3A_34 = arith.constant 0 : i32
    %dma_start3A_35 = tpu.memref_slice %arg3[%dma_start3A_33, %dma_start3A_34] : memref<100000x256xf32, #tpu.memory_space<hbm>> -> memref<100000x256xf32, #tpu.memory_space<hbm>>
    tpu.enqueue_indirect_dma source(%dma_start3A_35 : memref<100000x256xf32, #tpu.memory_space<hbm>>) target(%arg9 : memref<40x256xf32, #tpu.memory_space<vmem>>) offsets(%dma_start3A_32 : memref<40xi32, #tpu.memory_space<vmem>>) semaphore(%arg18 : memref<!tpu.dma_semaphore, #tpu.memory_space<semaphore_mem>>)
    %scan3A = arith.constant 0 : i32
    %scan3A_36 = arith.constant 0 : i32
    %scan3A_37 = arith.constant 11 : i32
    %scan3A_38 = arith.addi %scan3A_36, %scan3A_37 : i32
    %scan3A_39 = arith.constant 1 : i32
    scf.for %scan3A_41 = %scan3A_36 to %scan3A_38 step %scan3A_39  : i32 {
      %mul3A_42 = arith.constant 8 : i32
      %mul3A_43 = arith.muli %scan3A_41, %mul3A_42 : i32
      %add3A_44 = arith.constant 0 : i32
      %add3A_45 = arith.addi %mul3A_43, %add3A_44 : i32
      %add3A_46 = arith.constant 4 : i32
      %add3A_47 = arith.addi %add3A_45, %add3A_46 : i32
      %lt3A_48 = arith.cmpi slt, %add3A_47, %add3A_8 : i32
      %convert_element_type3A_49 = arith.extui %lt3A_48 : i1 to i32
      %cond3A_50 = arith.constant 0 : i32
      %cond3A_51 = arith.cmpi ne, %convert_element_type3A_49, %cond3A_50 : i32
      scf.if %cond3A_51 {
        %mul3A_327 = arith.constant 40 : i32
        %mul3A_328 = arith.muli %add3A_47, %mul3A_327 : i32
        %multiple_of3A_329 = tpu.assume_multiple %mul3A_328, 40 : i32
        %dma_start3A_330 = tpu.memref_slice %arg5[%multiple_of3A_329] : memref<3160xi32, #tpu.memory_space<vmem>> -> memref<40xi32, #tpu.memory_space<vmem>>
        %dma_start3A_331 = arith.constant 0 : i32
        %dma_start3A_332 = arith.constant 0 : i32
        %dma_start3A_333 = tpu.memref_slice %arg3[%dma_start3A_331, %dma_start3A_332] : memref<100000x256xf32, #tpu.memory_space<hbm>> -> memref<100000x256xf32, #tpu.memory_space<hbm>>
        tpu.enqueue_indirect_dma source(%dma_start3A_333 : memref<100000x256xf32, #tpu.memory_space<hbm>>) target(%arg10 : memref<40x256xf32, #tpu.memory_space<vmem>>) offsets(%dma_start3A_330 : memref<40xi32, #tpu.memory_space<vmem>>) semaphore(%arg19 : memref<!tpu.dma_semaphore, #tpu.memory_space<semaphore_mem>>)
      } else {
      }
      %ge3A = arith.constant 4 : i32
      %ge3A_52 = arith.cmpi sge, %add3A_45, %ge3A : i32
      %sub3A = arith.constant 4 : i32
      %sub3A_53 = arith.subi %add3A_45, %sub3A : i32
      %lt3A_54 = arith.cmpi slt, %sub3A_53, %add3A_8 : i32
      %and3A = arith.andi %ge3A_52, %lt3A_54 : i1
      %sub3A_55 = arith.constant 4 : i32
      %sub3A_56 = arith.subi %add3A_45, %sub3A_55 : i32
      %convert_element_type3A_57 = arith.extui %and3A : i1 to i32
      %cond3A_58 = arith.constant 0 : i32
      %cond3A_59 = arith.cmpi ne, %convert_element_type3A_57, %cond3A_58 : i32
      scf.if %cond3A_59 {
        %add3A_327 = arith.addi %add3A_4, %sub3A_56 : i32
        %mul3A_328 = arith.constant 40 : i32
        %mul3A_329 = arith.muli %add3A_327, %mul3A_328 : i32
        %mul3A_330 = arith.constant 4 : i32
        %mul3A_331 = arith.muli %arg1, %mul3A_330 : i32
        %add3A_332 = arith.constant 0 : i32
        %add3A_333 = arith.addi %mul3A_331, %add3A_332 : i32
        %mul3A_334 = arith.constant 40 : i32
        %mul3A_335 = arith.muli %add3A_333, %mul3A_334 : i32
        %multiple_of3A_336 = tpu.assume_multiple %mul3A_335, 40 : i32
        %dma_wait3A = arith.constant 0 : i32
        %dma_wait3A_337 = tpu.memref_slice %arg4[%mul3A_329, %dma_wait3A] : memref<100000x256xf32, #tpu.memory_space<hbm>> -> memref<40x256xf32, #tpu.memory_space<hbm>>
        %dma_wait3A_338 = arith.constant 0 : i32
        %dma_wait3A_339 = tpu.memref_slice %arg14[%multiple_of3A_336, %dma_wait3A_338] : memref<2560x256xf32, #tpu.memory_space<vmem_shared>> -> memref<40x256xf32, #tpu.memory_space<vmem_shared>>
        tpu.wait_dma2 semaphore(%arg27 : memref<!tpu.dma_semaphore, #tpu.memory_space<semaphore_mem>>) src(%dma_wait3A_339 : memref<40x256xf32, #tpu.memory_space<vmem_shared>>) dst(%dma_wait3A_337 : memref<40x256xf32, #tpu.memory_space<hbm>>)
      } else {
      }
      %lt3A_60 = arith.cmpi slt, %add3A_45, %add3A_8 : i32
      %convert_element_type3A_61 = arith.extui %lt3A_60 : i1 to i32
      %cond3A_62 = arith.constant 0 : i32
      %cond3A_63 = arith.cmpi ne, %convert_element_type3A_61, %cond3A_62 : i32
      scf.if %cond3A_63 {
        %mul3A_327 = arith.constant 40 : i32
        %mul3A_328 = arith.muli %add3A_45, %mul3A_327 : i32
        %multiple_of3A_329 = tpu.assume_multiple %mul3A_328, 40 : i32
        %dma_wait3A = tpu.memref_slice %arg5[%multiple_of3A_329] : memref<3160xi32, #tpu.memory_space<vmem>> -> memref<40xi32, #tpu.memory_space<vmem>>
        %dma_wait3A_330 = arith.constant 0 : i32
        %dma_wait3A_331 = arith.constant 0 : i32
        %dma_wait3A_332 = tpu.memref_slice %arg3[%dma_wait3A_330, %dma_wait3A_331] : memref<100000x256xf32, #tpu.memory_space<hbm>> -> memref<100000x256xf32, #tpu.memory_space<hbm>>
        tpu.wait_indirect_dma semaphore(%arg15 : memref<!tpu.dma_semaphore, #tpu.memory_space<semaphore_mem>>) src(%dma_wait3A_332 : memref<100000x256xf32, #tpu.memory_space<hbm>>) dst(%arg6 : memref<40x256xf32, #tpu.memory_space<vmem>>)
        %mul3A_333 = arith.constant 4 : i32
        %mul3A_334 = arith.muli %arg1, %mul3A_333 : i32
        %add3A_335 = arith.constant 0 : i32
        %add3A_336 = arith.addi %mul3A_334, %add3A_335 : i32
        %mul3A_337 = arith.constant 40 : i32
        %mul3A_338 = arith.muli %add3A_336, %mul3A_337 : i32
        %multiple_of3A_339 = tpu.assume_multiple %mul3A_338, 40 : i32
        %dma_start3A_340 = arith.constant 0 : i32
        %dma_start3A_341 = tpu.memref_slice %arg14[%multiple_of3A_339, %dma_start3A_340] : memref<2560x256xf32, #tpu.memory_space<vmem_shared>> -> memref<40x256xf32, #tpu.memory_space<vmem_shared>>
        %dma_start3A_342 = arith.constant 0 : i32
        %dma_start3A_343 = tpu.memref_slice %arg14[%multiple_of3A_339, %dma_start3A_342] : memref<2560x256xf32, #tpu.memory_space<vmem_shared>> -> memref<40x256xf32, #tpu.memory_space<vmem_shared>>
        tpu.enqueue_dma source(%arg6 : memref<40x256xf32, #tpu.memory_space<vmem>>) target(%dma_start3A_343 : memref<40x256xf32, #tpu.memory_space<vmem_shared>>) target_semaphore(%arg23 : memref<!tpu.dma_semaphore, #tpu.memory_space<semaphore_mem>>)
      } else {
      }
      %ge3A_64 = arith.constant 1 : i32
      %ge3A_65 = arith.cmpi sge, %add3A_45, %ge3A_64 : i32
      %sub3A_66 = arith.constant 1 : i32
      %sub3A_67 = arith.subi %add3A_45, %sub3A_66 : i32
      %lt3A_68 = arith.cmpi slt, %sub3A_67, %add3A_8 : i32
      %and3A_69 = arith.andi %ge3A_65, %lt3A_68 : i1
      %sub3A_70 = arith.constant 1 : i32
      %sub3A_71 = arith.subi %add3A_45, %sub3A_70 : i32
      %convert_element_type3A_72 = arith.extui %and3A_69 : i1 to i32
      %cond3A_73 = arith.constant 0 : i32
      %cond3A_74 = arith.cmpi ne, %convert_element_type3A_72, %cond3A_73 : i32
      scf.if %cond3A_74 {
        %mul3A_327 = arith.constant 4 : i32
        %mul3A_328 = arith.muli %arg1, %mul3A_327 : i32
        %add3A_329 = arith.constant 3 : i32
        %add3A_330 = arith.addi %mul3A_328, %add3A_329 : i32
        %mul3A_331 = arith.constant 40 : i32
        %mul3A_332 = arith.muli %add3A_330, %mul3A_331 : i32
        %multiple_of3A_333 = tpu.assume_multiple %mul3A_332, 40 : i32
        %dma_wait3A = arith.constant 0 : i32
        %dma_wait3A_334 = tpu.memref_slice %arg14[%multiple_of3A_333, %dma_wait3A] : memref<2560x256xf32, #tpu.memory_space<vmem_shared>> -> memref<40x256xf32, #tpu.memory_space<vmem_shared>>
        %dma_wait3A_335 = arith.constant 0 : i32
        %dma_wait3A_336 = tpu.memref_slice %arg14[%multiple_of3A_333, %dma_wait3A_335] : memref<2560x256xf32, #tpu.memory_space<vmem_shared>> -> memref<40x256xf32, #tpu.memory_space<vmem_shared>>
        tpu.wait_dma2 semaphore(%arg26 : memref<!tpu.dma_semaphore, #tpu.memory_space<semaphore_mem>>) src(%arg13 : memref<40x256xf32, #tpu.memory_space<vmem>>) dst(%dma_wait3A_336 : memref<40x256xf32, #tpu.memory_space<vmem_shared>>)
        %add3A_337 = arith.addi %add3A_4, %sub3A_71 : i32
        %mul3A_338 = arith.constant 40 : i32
        %mul3A_339 = arith.muli %add3A_337, %mul3A_338 : i32
        %mul3A_340 = arith.constant 4 : i32
        %mul3A_341 = arith.muli %arg1, %mul3A_340 : i32
        %add3A_342 = arith.constant 3 : i32
        %add3A_343 = arith.addi %mul3A_341, %add3A_342 : i32
        %mul3A_344 = arith.constant 40 : i32
        %mul3A_345 = arith.muli %add3A_343, %mul3A_344 : i32
        %multiple_of3A_346 = tpu.assume_multiple %mul3A_345, 40 : i32
        %dma_start3A_347 = arith.constant 0 : i32
        %dma_start3A_348 = tpu.memref_slice %arg4[%mul3A_339, %dma_start3A_347] : memref<100000x256xf32, #tpu.memory_space<hbm>> -> memref<40x256xf32, #tpu.memory_space<hbm>>
        %dma_start3A_349 = arith.constant 0 : i32
        %dma_start3A_350 = tpu.memref_slice %arg14[%multiple_of3A_346, %dma_start3A_349] : memref<2560x256xf32, #tpu.memory_space<vmem_shared>> -> memref<40x256xf32, #tpu.memory_space<vmem_shared>>
        tpu.enqueue_dma source(%dma_start3A_350 : memref<40x256xf32, #tpu.memory_space<vmem_shared>>) target(%dma_start3A_348 : memref<40x256xf32, #tpu.memory_space<hbm>>) target_semaphore(%arg30 : memref<!tpu.dma_semaphore, #tpu.memory_space<semaphore_mem>>)
      } else {
      }
      %mul3A_75 = arith.constant 8 : i32
      %mul3A_76 = arith.muli %scan3A_41, %mul3A_75 : i32
      %add3A_77 = arith.constant 1 : i32
      %add3A_78 = arith.addi %mul3A_76, %add3A_77 : i32
      %add3A_79 = arith.constant 4 : i32
      %add3A_80 = arith.addi %add3A_78, %add3A_79 : i32
      %lt3A_81 = arith.cmpi slt, %add3A_80, %add3A_8 : i32
      %convert_element_type3A_82 = arith.extui %lt3A_81 : i1 to i32
      %cond3A_83 = arith.constant 0 : i32
      %cond3A_84 = arith.cmpi ne, %convert_element_type3A_82, %cond3A_83 : i32
      scf.if %cond3A_84 {
        %mul3A_327 = arith.constant 40 : i32
        %mul3A_328 = arith.muli %add3A_80, %mul3A_327 : i32
        %multiple_of3A_329 = tpu.assume_multiple %mul3A_328, 40 : i32
        %dma_start3A_330 = tpu.memref_slice %arg5[%multiple_of3A_329] : memref<3160xi32, #tpu.memory_space<vmem>> -> memref<40xi32, #tpu.memory_space<vmem>>
        %dma_start3A_331 = arith.constant 0 : i32
        %dma_start3A_332 = arith.constant 0 : i32
        %dma_start3A_333 = tpu.memref_slice %arg3[%dma_start3A_331, %dma_start3A_332] : memref<100000x256xf32, #tpu.memory_space<hbm>> -> memref<100000x256xf32, #tpu.memory_space<hbm>>
        tpu.enqueue_indirect_dma source(%dma_start3A_333 : memref<100000x256xf32, #tpu.memory_space<hbm>>) target(%arg11 : memref<40x256xf32, #tpu.memory_space<vmem>>) offsets(%dma_start3A_330 : memref<40xi32, #tpu.memory_space<vmem>>) semaphore(%arg20 : memref<!tpu.dma_semaphore, #tpu.memory_space<semaphore_mem>>)
      } else {
      }
      %ge3A_85 = arith.constant 4 : i32
      %ge3A_86 = arith.cmpi sge, %add3A_78, %ge3A_85 : i32
      %sub3A_87 = arith.constant 4 : i32
      %sub3A_88 = arith.subi %add3A_78, %sub3A_87 : i32
      %lt3A_89 = arith.cmpi slt, %sub3A_88, %add3A_8 : i32
      %and3A_90 = arith.andi %ge3A_86, %lt3A_89 : i1
      %sub3A_91 = arith.constant 4 : i32
      %sub3A_92 = arith.subi %add3A_78, %sub3A_91 : i32
      %convert_element_type3A_93 = arith.extui %and3A_90 : i1 to i32
      %cond3A_94 = arith.constant 0 : i32
      %cond3A_95 = arith.cmpi ne, %convert_element_type3A_93, %cond3A_94 : i32
      scf.if %cond3A_95 {
        %add3A_327 = arith.addi %add3A_4, %sub3A_92 : i32
        %mul3A_328 = arith.constant 40 : i32
        %mul3A_329 = arith.muli %add3A_327, %mul3A_328 : i32
        %mul3A_330 = arith.constant 4 : i32
        %mul3A_331 = arith.muli %arg1, %mul3A_330 : i32
        %add3A_332 = arith.constant 1 : i32
        %add3A_333 = arith.addi %mul3A_331, %add3A_332 : i32
        %mul3A_334 = arith.constant 40 : i32
        %mul3A_335 = arith.muli %add3A_333, %mul3A_334 : i32
        %multiple_of3A_336 = tpu.assume_multiple %mul3A_335, 40 : i32
        %dma_wait3A = arith.constant 0 : i32
        %dma_wait3A_337 = tpu.memref_slice %arg4[%mul3A_329, %dma_wait3A] : memref<100000x256xf32, #tpu.memory_space<hbm>> -> memref<40x256xf32, #tpu.memory_space<hbm>>
        %dma_wait3A_338 = arith.constant 0 : i32
        %dma_wait3A_339 = tpu.memref_slice %arg14[%multiple_of3A_336, %dma_wait3A_338] : memref<2560x256xf32, #tpu.memory_space<vmem_shared>> -> memref<40x256xf32, #tpu.memory_space<vmem_shared>>
        tpu.wait_dma2 semaphore(%arg28 : memref<!tpu.dma_semaphore, #tpu.memory_space<semaphore_mem>>) src(%dma_wait3A_339 : memref<40x256xf32, #tpu.memory_space<vmem_shared>>) dst(%dma_wait3A_337 : memref<40x256xf32, #tpu.memory_space<hbm>>)
      } else {
      }
      %lt3A_96 = arith.cmpi slt, %add3A_78, %add3A_8 : i32
      %convert_element_type3A_97 = arith.extui %lt3A_96 : i1 to i32
      %cond3A_98 = arith.constant 0 : i32
      %cond3A_99 = arith.cmpi ne, %convert_element_type3A_97, %cond3A_98 : i32
      scf.if %cond3A_99 {
        %mul3A_327 = arith.constant 40 : i32
        %mul3A_328 = arith.muli %add3A_78, %mul3A_327 : i32
        %multiple_of3A_329 = tpu.assume_multiple %mul3A_328, 40 : i32
        %dma_wait3A = tpu.memref_slice %arg5[%multiple_of3A_329] : memref<3160xi32, #tpu.memory_space<vmem>> -> memref<40xi32, #tpu.memory_space<vmem>>
        %dma_wait3A_330 = arith.constant 0 : i32
        %dma_wait3A_331 = arith.constant 0 : i32
        %dma_wait3A_332 = tpu.memref_slice %arg3[%dma_wait3A_330, %dma_wait3A_331] : memref<100000x256xf32, #tpu.memory_space<hbm>> -> memref<100000x256xf32, #tpu.memory_space<hbm>>
        tpu.wait_indirect_dma semaphore(%arg16 : memref<!tpu.dma_semaphore, #tpu.memory_space<semaphore_mem>>) src(%dma_wait3A_332 : memref<100000x256xf32, #tpu.memory_space<hbm>>) dst(%arg7 : memref<40x256xf32, #tpu.memory_space<vmem>>)
        %mul3A_333 = arith.constant 4 : i32
        %mul3A_334 = arith.muli %arg1, %mul3A_333 : i32
        %add3A_335 = arith.constant 1 : i32
        %add3A_336 = arith.addi %mul3A_334, %add3A_335 : i32
        %mul3A_337 = arith.constant 40 : i32
        %mul3A_338 = arith.muli %add3A_336, %mul3A_337 : i32
        %multiple_of3A_339 = tpu.assume_multiple %mul3A_338, 40 : i32
        %dma_start3A_340 = arith.constant 0 : i32
        %dma_start3A_341 = tpu.memref_slice %arg14[%multiple_of3A_339, %dma_start3A_340] : memref<2560x256xf32, #tpu.memory_space<vmem_shared>> -> memref<40x256xf32, #tpu.memory_space<vmem_shared>>
        %dma_start3A_342 = arith.constant 0 : i32
        %dma_start3A_343 = tpu.memref_slice %arg14[%multiple_of3A_339, %dma_start3A_342] : memref<2560x256xf32, #tpu.memory_space<vmem_shared>> -> memref<40x256xf32, #tpu.memory_space<vmem_shared>>
        tpu.enqueue_dma source(%arg7 : memref<40x256xf32, #tpu.memory_space<vmem>>) target(%dma_start3A_343 : memref<40x256xf32, #tpu.memory_space<vmem_shared>>) target_semaphore(%arg24 : memref<!tpu.dma_semaphore, #tpu.memory_space<semaphore_mem>>)
      } else {
      }
      %ge3A_100 = arith.constant 1 : i32
      %ge3A_101 = arith.cmpi sge, %add3A_78, %ge3A_100 : i32
      %sub3A_102 = arith.constant 1 : i32
      %sub3A_103 = arith.subi %add3A_78, %sub3A_102 : i32
      %lt3A_104 = arith.cmpi slt, %sub3A_103, %add3A_8 : i32
      %and3A_105 = arith.andi %ge3A_101, %lt3A_104 : i1
      %sub3A_106 = arith.constant 1 : i32
      %sub3A_107 = arith.subi %add3A_78, %sub3A_106 : i32
      %convert_element_type3A_108 = arith.extui %and3A_105 : i1 to i32
      %cond3A_109 = arith.constant 0 : i32
      %cond3A_110 = arith.cmpi ne, %convert_element_type3A_108, %cond3A_109 : i32
      scf.if %cond3A_110 {
        %mul3A_327 = arith.constant 4 : i32
        %mul3A_328 = arith.muli %arg1, %mul3A_327 : i32
        %add3A_329 = arith.constant 0 : i32
        %add3A_330 = arith.addi %mul3A_328, %add3A_329 : i32
        %mul3A_331 = arith.constant 40 : i32
        %mul3A_332 = arith.muli %add3A_330, %mul3A_331 : i32
        %multiple_of3A_333 = tpu.assume_multiple %mul3A_332, 40 : i32
        %dma_wait3A = arith.constant 0 : i32
        %dma_wait3A_334 = tpu.memref_slice %arg14[%multiple_of3A_333, %dma_wait3A] : memref<2560x256xf32, #tpu.memory_space<vmem_shared>> -> memref<40x256xf32, #tpu.memory_space<vmem_shared>>
        %dma_wait3A_335 = arith.constant 0 : i32
        %dma_wait3A_336 = tpu.memref_slice %arg14[%multiple_of3A_333, %dma_wait3A_335] : memref<2560x256xf32, #tpu.memory_space<vmem_shared>> -> memref<40x256xf32, #tpu.memory_space<vmem_shared>>
        tpu.wait_dma2 semaphore(%arg23 : memref<!tpu.dma_semaphore, #tpu.memory_space<semaphore_mem>>) src(%arg6 : memref<40x256xf32, #tpu.memory_space<vmem>>) dst(%dma_wait3A_336 : memref<40x256xf32, #tpu.memory_space<vmem_shared>>)
        %add3A_337 = arith.addi %add3A_4, %sub3A_107 : i32
        %mul3A_338 = arith.constant 40 : i32
        %mul3A_339 = arith.muli %add3A_337, %mul3A_338 : i32
        %mul3A_340 = arith.constant 4 : i32
        %mul3A_341 = arith.muli %arg1, %mul3A_340 : i32
        %add3A_342 = arith.constant 0 : i32
        %add3A_343 = arith.addi %mul3A_341, %add3A_342 : i32
        %mul3A_344 = arith.constant 40 : i32
        %mul3A_345 = arith.muli %add3A_343, %mul3A_344 : i32
        %multiple_of3A_346 = tpu.assume_multiple %mul3A_345, 40 : i32
        %dma_start3A_347 = arith.constant 0 : i32
        %dma_start3A_348 = tpu.memref_slice %arg4[%mul3A_339, %dma_start3A_347] : memref<100000x256xf32, #tpu.memory_space<hbm>> -> memref<40x256xf32, #tpu.memory_space<hbm>>
        %dma_start3A_349 = arith.constant 0 : i32
        %dma_start3A_350 = tpu.memref_slice %arg14[%multiple_of3A_346, %dma_start3A_349] : memref<2560x256xf32, #tpu.memory_space<vmem_shared>> -> memref<40x256xf32, #tpu.memory_space<vmem_shared>>
        tpu.enqueue_dma source(%dma_start3A_350 : memref<40x256xf32, #tpu.memory_space<vmem_shared>>) target(%dma_start3A_348 : memref<40x256xf32, #tpu.memory_space<hbm>>) target_semaphore(%arg27 : memref<!tpu.dma_semaphore, #tpu.memory_space<semaphore_mem>>)
      } else {
      }
      %mul3A_111 = arith.constant 8 : i32
      %mul3A_112 = arith.muli %scan3A_41, %mul3A_111 : i32
      %add3A_113 = arith.constant 2 : i32
      %add3A_114 = arith.addi %mul3A_112, %add3A_113 : i32
      %add3A_115 = arith.constant 4 : i32
      %add3A_116 = arith.addi %add3A_114, %add3A_115 : i32
      %lt3A_117 = arith.cmpi slt, %add3A_116, %add3A_8 : i32
      %convert_element_type3A_118 = arith.extui %lt3A_117 : i1 to i32
      %cond3A_119 = arith.constant 0 : i32
      %cond3A_120 = arith.cmpi ne, %convert_element_type3A_118, %cond3A_119 : i32
      scf.if %cond3A_120 {
        %mul3A_327 = arith.constant 40 : i32
        %mul3A_328 = arith.muli %add3A_116, %mul3A_327 : i32
        %multiple_of3A_329 = tpu.assume_multiple %mul3A_328, 40 : i32
        %dma_start3A_330 = tpu.memref_slice %arg5[%multiple_of3A_329] : memref<3160xi32, #tpu.memory_space<vmem>> -> memref<40xi32, #tpu.memory_space<vmem>>
        %dma_start3A_331 = arith.constant 0 : i32
        %dma_start3A_332 = arith.constant 0 : i32
        %dma_start3A_333 = tpu.memref_slice %arg3[%dma_start3A_331, %dma_start3A_332] : memref<100000x256xf32, #tpu.memory_space<hbm>> -> memref<100000x256xf32, #tpu.memory_space<hbm>>
        tpu.enqueue_indirect_dma source(%dma_start3A_333 : memref<100000x256xf32, #tpu.memory_space<hbm>>) target(%arg12 : memref<40x256xf32, #tpu.memory_space<vmem>>) offsets(%dma_start3A_330 : memref<40xi32, #tpu.memory_space<vmem>>) semaphore(%arg21 : memref<!tpu.dma_semaphore, #tpu.memory_space<semaphore_mem>>)
      } else {
      }
      %ge3A_121 = arith.constant 4 : i32
      %ge3A_122 = arith.cmpi sge, %add3A_114, %ge3A_121 : i32
      %sub3A_123 = arith.constant 4 : i32
      %sub3A_124 = arith.subi %add3A_114, %sub3A_123 : i32
      %lt3A_125 = arith.cmpi slt, %sub3A_124, %add3A_8 : i32
      %and3A_126 = arith.andi %ge3A_122, %lt3A_125 : i1
      %sub3A_127 = arith.constant 4 : i32
      %sub3A_128 = arith.subi %add3A_114, %sub3A_127 : i32
      %convert_element_type3A_129 = arith.extui %and3A_126 : i1 to i32
      %cond3A_130 = arith.constant 0 : i32
      %cond3A_131 = arith.cmpi ne, %convert_element_type3A_129, %cond3A_130 : i32
      scf.if %cond3A_131 {
        %add3A_327 = arith.addi %add3A_4, %sub3A_128 : i32
        %mul3A_328 = arith.constant 40 : i32
        %mul3A_329 = arith.muli %add3A_327, %mul3A_328 : i32
        %mul3A_330 = arith.constant 4 : i32
        %mul3A_331 = arith.muli %arg1, %mul3A_330 : i32
        %add3A_332 = arith.constant 2 : i32
        %add3A_333 = arith.addi %mul3A_331, %add3A_332 : i32
        %mul3A_334 = arith.constant 40 : i32
        %mul3A_335 = arith.muli %add3A_333, %mul3A_334 : i32
        %multiple_of3A_336 = tpu.assume_multiple %mul3A_335, 40 : i32
        %dma_wait3A = arith.constant 0 : i32
        %dma_wait3A_337 = tpu.memref_slice %arg4[%mul3A_329, %dma_wait3A] : memref<100000x256xf32, #tpu.memory_space<hbm>> -> memref<40x256xf32, #tpu.memory_space<hbm>>
        %dma_wait3A_338 = arith.constant 0 : i32
        %dma_wait3A_339 = tpu.memref_slice %arg14[%multiple_of3A_336, %dma_wait3A_338] : memref<2560x256xf32, #tpu.memory_space<vmem_shared>> -> memref<40x256xf32, #tpu.memory_space<vmem_shared>>
        tpu.wait_dma2 semaphore(%arg29 : memref<!tpu.dma_semaphore, #tpu.memory_space<semaphore_mem>>) src(%dma_wait3A_339 : memref<40x256xf32, #tpu.memory_space<vmem_shared>>) dst(%dma_wait3A_337 : memref<40x256xf32, #tpu.memory_space<hbm>>)
      } else {
      }
      %lt3A_132 = arith.cmpi slt, %add3A_114, %add3A_8 : i32
      %convert_element_type3A_133 = arith.extui %lt3A_132 : i1 to i32
      %cond3A_134 = arith.constant 0 : i32
      %cond3A_135 = arith.cmpi ne, %convert_element_type3A_133, %cond3A_134 : i32
      scf.if %cond3A_135 {
        %mul3A_327 = arith.constant 40 : i32
        %mul3A_328 = arith.muli %add3A_114, %mul3A_327 : i32
        %multiple_of3A_329 = tpu.assume_multiple %mul3A_328, 40 : i32
        %dma_wait3A = tpu.memref_slice %arg5[%multiple_of3A_329] : memref<3160xi32, #tpu.memory_space<vmem>> -> memref<40xi32, #tpu.memory_space<vmem>>
        %dma_wait3A_330 = arith.constant 0 : i32
        %dma_wait3A_331 = arith.constant 0 : i32
        %dma_wait3A_332 = tpu.memref_slice %arg3[%dma_wait3A_330, %dma_wait3A_331] : memref<100000x256xf32, #tpu.memory_space<hbm>> -> memref<100000x256xf32, #tpu.memory_space<hbm>>
        tpu.wait_indirect_dma semaphore(%arg17 : memref<!tpu.dma_semaphore, #tpu.memory_space<semaphore_mem>>) src(%dma_wait3A_332 : memref<100000x256xf32, #tpu.memory_space<hbm>>) dst(%arg8 : memref<40x256xf32, #tpu.memory_space<vmem>>)
        %mul3A_333 = arith.constant 4 : i32
        %mul3A_334 = arith.muli %arg1, %mul3A_333 : i32
        %add3A_335 = arith.constant 2 : i32
        %add3A_336 = arith.addi %mul3A_334, %add3A_335 : i32
        %mul3A_337 = arith.constant 40 : i32
        %mul3A_338 = arith.muli %add3A_336, %mul3A_337 : i32
        %multiple_of3A_339 = tpu.assume_multiple %mul3A_338, 40 : i32
        %dma_start3A_340 = arith.constant 0 : i32
        %dma_start3A_341 = tpu.memref_slice %arg14[%multiple_of3A_339, %dma_start3A_340] : memref<2560x256xf32, #tpu.memory_space<vmem_shared>> -> memref<40x256xf32, #tpu.memory_space<vmem_shared>>
        %dma_start3A_342 = arith.constant 0 : i32
        %dma_start3A_343 = tpu.memref_slice %arg14[%multiple_of3A_339, %dma_start3A_342] : memref<2560x256xf32, #tpu.memory_space<vmem_shared>> -> memref<40x256xf32, #tpu.memory_space<vmem_shared>>
        tpu.enqueue_dma source(%arg8 : memref<40x256xf32, #tpu.memory_space<vmem>>) target(%dma_start3A_343 : memref<40x256xf32, #tpu.memory_space<vmem_shared>>) target_semaphore(%arg25 : memref<!tpu.dma_semaphore, #tpu.memory_space<semaphore_mem>>)
      } else {
      }
      %ge3A_136 = arith.constant 1 : i32
      %ge3A_137 = arith.cmpi sge, %add3A_114, %ge3A_136 : i32
      %sub3A_138 = arith.constant 1 : i32
      %sub3A_139 = arith.subi %add3A_114, %sub3A_138 : i32
      %lt3A_140 = arith.cmpi slt, %sub3A_139, %add3A_8 : i32
      %and3A_141 = arith.andi %ge3A_137, %lt3A_140 : i1
      %sub3A_142 = arith.constant 1 : i32
      %sub3A_143 = arith.subi %add3A_114, %sub3A_142 : i32
      %convert_element_type3A_144 = arith.extui %and3A_141 : i1 to i32
      %cond3A_145 = arith.constant 0 : i32
      %cond3A_146 = arith.cmpi ne, %convert_element_type3A_144, %cond3A_145 : i32
      scf.if %cond3A_146 {
        %mul3A_327 = arith.constant 4 : i32
        %mul3A_328 = arith.muli %arg1, %mul3A_327 : i32
        %add3A_329 = arith.constant 1 : i32
        %add3A_330 = arith.addi %mul3A_328, %add3A_329 : i32
        %mul3A_331 = arith.constant 40 : i32
        %mul3A_332 = arith.muli %add3A_330, %mul3A_331 : i32
        %multiple_of3A_333 = tpu.assume_multiple %mul3A_332, 40 : i32
        %dma_wait3A = arith.constant 0 : i32
        %dma_wait3A_334 = tpu.memref_slice %arg14[%multiple_of3A_333, %dma_wait3A] : memref<2560x256xf32, #tpu.memory_space<vmem_shared>> -> memref<40x256xf32, #tpu.memory_space<vmem_shared>>
        %dma_wait3A_335 = arith.constant 0 : i32
        %dma_wait3A_336 = tpu.memref_slice %arg14[%multiple_of3A_333, %dma_wait3A_335] : memref<2560x256xf32, #tpu.memory_space<vmem_shared>> -> memref<40x256xf32, #tpu.memory_space<vmem_shared>>
        tpu.wait_dma2 semaphore(%arg24 : memref<!tpu.dma_semaphore, #tpu.memory_space<semaphore_mem>>) src(%arg7 : memref<40x256xf32, #tpu.memory_space<vmem>>) dst(%dma_wait3A_336 : memref<40x256xf32, #tpu.memory_space<vmem_shared>>)
        %add3A_337 = arith.addi %add3A_4, %sub3A_143 : i32
        %mul3A_338 = arith.constant 40 : i32
        %mul3A_339 = arith.muli %add3A_337, %mul3A_338 : i32
        %mul3A_340 = arith.constant 4 : i32
        %mul3A_341 = arith.muli %arg1, %mul3A_340 : i32
        %add3A_342 = arith.constant 1 : i32
        %add3A_343 = arith.addi %mul3A_341, %add3A_342 : i32
        %mul3A_344 = arith.constant 40 : i32
        %mul3A_345 = arith.muli %add3A_343, %mul3A_344 : i32
        %multiple_of3A_346 = tpu.assume_multiple %mul3A_345, 40 : i32
        %dma_start3A_347 = arith.constant 0 : i32
        %dma_start3A_348 = tpu.memref_slice %arg4[%mul3A_339, %dma_start3A_347] : memref<100000x256xf32, #tpu.memory_space<hbm>> -> memref<40x256xf32, #tpu.memory_space<hbm>>
        %dma_start3A_349 = arith.constant 0 : i32
        %dma_start3A_350 = tpu.memref_slice %arg14[%multiple_of3A_346, %dma_start3A_349] : memref<2560x256xf32, #tpu.memory_space<vmem_shared>> -> memref<40x256xf32, #tpu.memory_space<vmem_shared>>
        tpu.enqueue_dma source(%dma_start3A_350 : memref<40x256xf32, #tpu.memory_space<vmem_shared>>) target(%dma_start3A_348 : memref<40x256xf32, #tpu.memory_space<hbm>>) target_semaphore(%arg28 : memref<!tpu.dma_semaphore, #tpu.memory_space<semaphore_mem>>)
      } else {
      }
      %mul3A_147 = arith.constant 8 : i32
      %mul3A_148 = arith.muli %scan3A_41, %mul3A_147 : i32
      %add3A_149 = arith.constant 3 : i32
      %add3A_150 = arith.addi %mul3A_148, %add3A_149 : i32
      %add3A_151 = arith.constant 4 : i32
      %add3A_152 = arith.addi %add3A_150, %add3A_151 : i32
      %lt3A_153 = arith.cmpi slt, %add3A_152, %add3A_8 : i32
      %convert_element_type3A_154 = arith.extui %lt3A_153 : i1 to i32
      %cond3A_155 = arith.constant 0 : i32
      %cond3A_156 = arith.cmpi ne, %convert_element_type3A_154, %cond3A_155 : i32
      scf.if %cond3A_156 {
        %mul3A_327 = arith.constant 40 : i32
        %mul3A_328 = arith.muli %add3A_152, %mul3A_327 : i32
        %multiple_of3A_329 = tpu.assume_multiple %mul3A_328, 40 : i32
        %dma_start3A_330 = tpu.memref_slice %arg5[%multiple_of3A_329] : memref<3160xi32, #tpu.memory_space<vmem>> -> memref<40xi32, #tpu.memory_space<vmem>>
        %dma_start3A_331 = arith.constant 0 : i32
        %dma_start3A_332 = arith.constant 0 : i32
        %dma_start3A_333 = tpu.memref_slice %arg3[%dma_start3A_331, %dma_start3A_332] : memref<100000x256xf32, #tpu.memory_space<hbm>> -> memref<100000x256xf32, #tpu.memory_space<hbm>>
        tpu.enqueue_indirect_dma source(%dma_start3A_333 : memref<100000x256xf32, #tpu.memory_space<hbm>>) target(%arg13 : memref<40x256xf32, #tpu.memory_space<vmem>>) offsets(%dma_start3A_330 : memref<40xi32, #tpu.memory_space<vmem>>) semaphore(%arg22 : memref<!tpu.dma_semaphore, #tpu.memory_space<semaphore_mem>>)
      } else {
      }
      %ge3A_157 = arith.constant 4 : i32
      %ge3A_158 = arith.cmpi sge, %add3A_150, %ge3A_157 : i32
      %sub3A_159 = arith.constant 4 : i32
      %sub3A_160 = arith.subi %add3A_150, %sub3A_159 : i32
      %lt3A_161 = arith.cmpi slt, %sub3A_160, %add3A_8 : i32
      %and3A_162 = arith.andi %ge3A_158, %lt3A_161 : i1
      %sub3A_163 = arith.constant 4 : i32
      %sub3A_164 = arith.subi %add3A_150, %sub3A_163 : i32
      %convert_element_type3A_165 = arith.extui %and3A_162 : i1 to i32
      %cond3A_166 = arith.constant 0 : i32
      %cond3A_167 = arith.cmpi ne, %convert_element_type3A_165, %cond3A_166 : i32
      scf.if %cond3A_167 {
        %add3A_327 = arith.addi %add3A_4, %sub3A_164 : i32
        %mul3A_328 = arith.constant 40 : i32
        %mul3A_329 = arith.muli %add3A_327, %mul3A_328 : i32
        %mul3A_330 = arith.constant 4 : i32
        %mul3A_331 = arith.muli %arg1, %mul3A_330 : i32
        %add3A_332 = arith.constant 3 : i32
        %add3A_333 = arith.addi %mul3A_331, %add3A_332 : i32
        %mul3A_334 = arith.constant 40 : i32
        %mul3A_335 = arith.muli %add3A_333, %mul3A_334 : i32
        %multiple_of3A_336 = tpu.assume_multiple %mul3A_335, 40 : i32
        %dma_wait3A = arith.constant 0 : i32
        %dma_wait3A_337 = tpu.memref_slice %arg4[%mul3A_329, %dma_wait3A] : memref<100000x256xf32, #tpu.memory_space<hbm>> -> memref<40x256xf32, #tpu.memory_space<hbm>>
        %dma_wait3A_338 = arith.constant 0 : i32
        %dma_wait3A_339 = tpu.memref_slice %arg14[%multiple_of3A_336, %dma_wait3A_338] : memref<2560x256xf32, #tpu.memory_space<vmem_shared>> -> memref<40x256xf32, #tpu.memory_space<vmem_shared>>
        tpu.wait_dma2 semaphore(%arg30 : memref<!tpu.dma_semaphore, #tpu.memory_space<semaphore_mem>>) src(%dma_wait3A_339 : memref<40x256xf32, #tpu.memory_space<vmem_shared>>) dst(%dma_wait3A_337 : memref<40x256xf32, #tpu.memory_space<hbm>>)
      } else {
      }
      %lt3A_168 = arith.cmpi slt, %add3A_150, %add3A_8 : i32
      %convert_element_type3A_169 = arith.extui %lt3A_168 : i1 to i32
      %cond3A_170 = arith.constant 0 : i32
      %cond3A_171 = arith.cmpi ne, %convert_element_type3A_169, %cond3A_170 : i32
      scf.if %cond3A_171 {
        %mul3A_327 = arith.constant 40 : i32
        %mul3A_328 = arith.muli %add3A_150, %mul3A_327 : i32
        %multiple_of3A_329 = tpu.assume_multiple %mul3A_328, 40 : i32
        %dma_wait3A = tpu.memref_slice %arg5[%multiple_of3A_329] : memref<3160xi32, #tpu.memory_space<vmem>> -> memref<40xi32, #tpu.memory_space<vmem>>
        %dma_wait3A_330 = arith.constant 0 : i32
        %dma_wait3A_331 = arith.constant 0 : i32
        %dma_wait3A_332 = tpu.memref_slice %arg3[%dma_wait3A_330, %dma_wait3A_331] : memref<100000x256xf32, #tpu.memory_space<hbm>> -> memref<100000x256xf32, #tpu.memory_space<hbm>>
        tpu.wait_indirect_dma semaphore(%arg18 : memref<!tpu.dma_semaphore, #tpu.memory_space<semaphore_mem>>) src(%dma_wait3A_332 : memref<100000x256xf32, #tpu.memory_space<hbm>>) dst(%arg9 : memref<40x256xf32, #tpu.memory_space<vmem>>)
        %mul3A_333 = arith.constant 4 : i32
        %mul3A_334 = arith.muli %arg1, %mul3A_333 : i32
        %add3A_335 = arith.constant 3 : i32
        %add3A_336 = arith.addi %mul3A_334, %add3A_335 : i32
        %mul3A_337 = arith.constant 40 : i32
        %mul3A_338 = arith.muli %add3A_336, %mul3A_337 : i32
        %multiple_of3A_339 = tpu.assume_multiple %mul3A_338, 40 : i32
        %dma_start3A_340 = arith.constant 0 : i32
        %dma_start3A_341 = tpu.memref_slice %arg14[%multiple_of3A_339, %dma_start3A_340] : memref<2560x256xf32, #tpu.memory_space<vmem_shared>> -> memref<40x256xf32, #tpu.memory_space<vmem_shared>>
        %dma_start3A_342 = arith.constant 0 : i32
        %dma_start3A_343 = tpu.memref_slice %arg14[%multiple_of3A_339, %dma_start3A_342] : memref<2560x256xf32, #tpu.memory_space<vmem_shared>> -> memref<40x256xf32, #tpu.memory_space<vmem_shared>>
        tpu.enqueue_dma source(%arg9 : memref<40x256xf32, #tpu.memory_space<vmem>>) target(%dma_start3A_343 : memref<40x256xf32, #tpu.memory_space<vmem_shared>>) target_semaphore(%arg26 : memref<!tpu.dma_semaphore, #tpu.memory_space<semaphore_mem>>)
      } else {
      }
      %ge3A_172 = arith.constant 1 : i32
      %ge3A_173 = arith.cmpi sge, %add3A_150, %ge3A_172 : i32
      %sub3A_174 = arith.constant 1 : i32
      %sub3A_175 = arith.subi %add3A_150, %sub3A_174 : i32
      %lt3A_176 = arith.cmpi slt, %sub3A_175, %add3A_8 : i32
      %and3A_177 = arith.andi %ge3A_173, %lt3A_176 : i1
      %sub3A_178 = arith.constant 1 : i32
      %sub3A_179 = arith.subi %add3A_150, %sub3A_178 : i32
      %convert_element_type3A_180 = arith.extui %and3A_177 : i1 to i32
      %cond3A_181 = arith.constant 0 : i32
      %cond3A_182 = arith.cmpi ne, %convert_element_type3A_180, %cond3A_181 : i32
      scf.if %cond3A_182 {
        %mul3A_327 = arith.constant 4 : i32
        %mul3A_328 = arith.muli %arg1, %mul3A_327 : i32
        %add3A_329 = arith.constant 2 : i32
        %add3A_330 = arith.addi %mul3A_328, %add3A_329 : i32
        %mul3A_331 = arith.constant 40 : i32
        %mul3A_332 = arith.muli %add3A_330, %mul3A_331 : i32
        %multiple_of3A_333 = tpu.assume_multiple %mul3A_332, 40 : i32
        %dma_wait3A = arith.constant 0 : i32
        %dma_wait3A_334 = tpu.memref_slice %arg14[%multiple_of3A_333, %dma_wait3A] : memref<2560x256xf32, #tpu.memory_space<vmem_shared>> -> memref<40x256xf32, #tpu.memory_space<vmem_shared>>
        %dma_wait3A_335 = arith.constant 0 : i32
        %dma_wait3A_336 = tpu.memref_slice %arg14[%multiple_of3A_333, %dma_wait3A_335] : memref<2560x256xf32, #tpu.memory_space<vmem_shared>> -> memref<40x256xf32, #tpu.memory_space<vmem_shared>>
        tpu.wait_dma2 semaphore(%arg25 : memref<!tpu.dma_semaphore, #tpu.memory_space<semaphore_mem>>) src(%arg8 : memref<40x256xf32, #tpu.memory_space<vmem>>) dst(%dma_wait3A_336 : memref<40x256xf32, #tpu.memory_space<vmem_shared>>)
        %add3A_337 = arith.addi %add3A_4, %sub3A_179 : i32
        %mul3A_338 = arith.constant 40 : i32
        %mul3A_339 = arith.muli %add3A_337, %mul3A_338 : i32
        %mul3A_340 = arith.constant 4 : i32
        %mul3A_341 = arith.muli %arg1, %mul3A_340 : i32
        %add3A_342 = arith.constant 2 : i32
        %add3A_343 = arith.addi %mul3A_341, %add3A_342 : i32
        %mul3A_344 = arith.constant 40 : i32
        %mul3A_345 = arith.muli %add3A_343, %mul3A_344 : i32
        %multiple_of3A_346 = tpu.assume_multiple %mul3A_345, 40 : i32
        %dma_start3A_347 = arith.constant 0 : i32
        %dma_start3A_348 = tpu.memref_slice %arg4[%mul3A_339, %dma_start3A_347] : memref<100000x256xf32, #tpu.memory_space<hbm>> -> memref<40x256xf32, #tpu.memory_space<hbm>>
        %dma_start3A_349 = arith.constant 0 : i32
        %dma_start3A_350 = tpu.memref_slice %arg14[%multiple_of3A_346, %dma_start3A_349] : memref<2560x256xf32, #tpu.memory_space<vmem_shared>> -> memref<40x256xf32, #tpu.memory_space<vmem_shared>>
        tpu.enqueue_dma source(%dma_start3A_350 : memref<40x256xf32, #tpu.memory_space<vmem_shared>>) target(%dma_start3A_348 : memref<40x256xf32, #tpu.memory_space<hbm>>) target_semaphore(%arg29 : memref<!tpu.dma_semaphore, #tpu.memory_space<semaphore_mem>>)
      } else {
      }
      %mul3A_183 = arith.constant 8 : i32
      %mul3A_184 = arith.muli %scan3A_41, %mul3A_183 : i32
      %add3A_185 = arith.constant 4 : i32
      %add3A_186 = arith.addi %mul3A_184, %add3A_185 : i32
      %add3A_187 = arith.constant 4 : i32
      %add3A_188 = arith.addi %add3A_186, %add3A_187 : i32
      %lt3A_189 = arith.cmpi slt, %add3A_188, %add3A_8 : i32
      %convert_element_type3A_190 = arith.extui %lt3A_189 : i1 to i32
      %cond3A_191 = arith.constant 0 : i32
      %cond3A_192 = arith.cmpi ne, %convert_element_type3A_190, %cond3A_191 : i32
      scf.if %cond3A_192 {
        %mul3A_327 = arith.constant 40 : i32
        %mul3A_328 = arith.muli %add3A_188, %mul3A_327 : i32
        %multiple_of3A_329 = tpu.assume_multiple %mul3A_328, 40 : i32
        %dma_start3A_330 = tpu.memref_slice %arg5[%multiple_of3A_329] : memref<3160xi32, #tpu.memory_space<vmem>> -> memref<40xi32, #tpu.memory_space<vmem>>
        %dma_start3A_331 = arith.constant 0 : i32
        %dma_start3A_332 = arith.constant 0 : i32
        %dma_start3A_333 = tpu.memref_slice %arg3[%dma_start3A_331, %dma_start3A_332] : memref<100000x256xf32, #tpu.memory_space<hbm>> -> memref<100000x256xf32, #tpu.memory_space<hbm>>
        tpu.enqueue_indirect_dma source(%dma_start3A_333 : memref<100000x256xf32, #tpu.memory_space<hbm>>) target(%arg6 : memref<40x256xf32, #tpu.memory_space<vmem>>) offsets(%dma_start3A_330 : memref<40xi32, #tpu.memory_space<vmem>>) semaphore(%arg15 : memref<!tpu.dma_semaphore, #tpu.memory_space<semaphore_mem>>)
      } else {
      }
      %ge3A_193 = arith.constant 4 : i32
      %ge3A_194 = arith.cmpi sge, %add3A_186, %ge3A_193 : i32
      %sub3A_195 = arith.constant 4 : i32
      %sub3A_196 = arith.subi %add3A_186, %sub3A_195 : i32
      %lt3A_197 = arith.cmpi slt, %sub3A_196, %add3A_8 : i32
      %and3A_198 = arith.andi %ge3A_194, %lt3A_197 : i1
      %sub3A_199 = arith.constant 4 : i32
      %sub3A_200 = arith.subi %add3A_186, %sub3A_199 : i32
      %convert_element_type3A_201 = arith.extui %and3A_198 : i1 to i32
      %cond3A_202 = arith.constant 0 : i32
      %cond3A_203 = arith.cmpi ne, %convert_element_type3A_201, %cond3A_202 : i32
      scf.if %cond3A_203 {
        %add3A_327 = arith.addi %add3A_4, %sub3A_200 : i32
        %mul3A_328 = arith.constant 40 : i32
        %mul3A_329 = arith.muli %add3A_327, %mul3A_328 : i32
        %mul3A_330 = arith.constant 4 : i32
        %mul3A_331 = arith.muli %arg1, %mul3A_330 : i32
        %add3A_332 = arith.constant 0 : i32
        %add3A_333 = arith.addi %mul3A_331, %add3A_332 : i32
        %mul3A_334 = arith.constant 40 : i32
        %mul3A_335 = arith.muli %add3A_333, %mul3A_334 : i32
        %multiple_of3A_336 = tpu.assume_multiple %mul3A_335, 40 : i32
        %dma_wait3A = arith.constant 0 : i32
        %dma_wait3A_337 = tpu.memref_slice %arg4[%mul3A_329, %dma_wait3A] : memref<100000x256xf32, #tpu.memory_space<hbm>> -> memref<40x256xf32, #tpu.memory_space<hbm>>
        %dma_wait3A_338 = arith.constant 0 : i32
        %dma_wait3A_339 = tpu.memref_slice %arg14[%multiple_of3A_336, %dma_wait3A_338] : memref<2560x256xf32, #tpu.memory_space<vmem_shared>> -> memref<40x256xf32, #tpu.memory_space<vmem_shared>>
        tpu.wait_dma2 semaphore(%arg27 : memref<!tpu.dma_semaphore, #tpu.memory_space<semaphore_mem>>) src(%dma_wait3A_339 : memref<40x256xf32, #tpu.memory_space<vmem_shared>>) dst(%dma_wait3A_337 : memref<40x256xf32, #tpu.memory_space<hbm>>)
      } else {
      }
      %lt3A_204 = arith.cmpi slt, %add3A_186, %add3A_8 : i32
      %convert_element_type3A_205 = arith.extui %lt3A_204 : i1 to i32
      %cond3A_206 = arith.constant 0 : i32
      %cond3A_207 = arith.cmpi ne, %convert_element_type3A_205, %cond3A_206 : i32
      scf.if %cond3A_207 {
        %mul3A_327 = arith.constant 40 : i32
        %mul3A_328 = arith.muli %add3A_186, %mul3A_327 : i32
        %multiple_of3A_329 = tpu.assume_multiple %mul3A_328, 40 : i32
        %dma_wait3A = tpu.memref_slice %arg5[%multiple_of3A_329] : memref<3160xi32, #tpu.memory_space<vmem>> -> memref<40xi32, #tpu.memory_space<vmem>>
        %dma_wait3A_330 = arith.constant 0 : i32
        %dma_wait3A_331 = arith.constant 0 : i32
        %dma_wait3A_332 = tpu.memref_slice %arg3[%dma_wait3A_330, %dma_wait3A_331] : memref<100000x256xf32, #tpu.memory_space<hbm>> -> memref<100000x256xf32, #tpu.memory_space<hbm>>
        tpu.wait_indirect_dma semaphore(%arg19 : memref<!tpu.dma_semaphore, #tpu.memory_space<semaphore_mem>>) src(%dma_wait3A_332 : memref<100000x256xf32, #tpu.memory_space<hbm>>) dst(%arg10 : memref<40x256xf32, #tpu.memory_space<vmem>>)
        %mul3A_333 = arith.constant 4 : i32
        %mul3A_334 = arith.muli %arg1, %mul3A_333 : i32
        %add3A_335 = arith.constant 0 : i32
        %add3A_336 = arith.addi %mul3A_334, %add3A_335 : i32
        %mul3A_337 = arith.constant 40 : i32
        %mul3A_338 = arith.muli %add3A_336, %mul3A_337 : i32
        %multiple_of3A_339 = tpu.assume_multiple %mul3A_338, 40 : i32
        %dma_start3A_340 = arith.constant 0 : i32
        %dma_start3A_341 = tpu.memref_slice %arg14[%multiple_of3A_339, %dma_start3A_340] : memref<2560x256xf32, #tpu.memory_space<vmem_shared>> -> memref<40x256xf32, #tpu.memory_space<vmem_shared>>
        %dma_start3A_342 = arith.constant 0 : i32
        %dma_start3A_343 = tpu.memref_slice %arg14[%multiple_of3A_339, %dma_start3A_342] : memref<2560x256xf32, #tpu.memory_space<vmem_shared>> -> memref<40x256xf32, #tpu.memory_space<vmem_shared>>
        tpu.enqueue_dma source(%arg10 : memref<40x256xf32, #tpu.memory_space<vmem>>) target(%dma_start3A_343 : memref<40x256xf32, #tpu.memory_space<vmem_shared>>) target_semaphore(%arg23 : memref<!tpu.dma_semaphore, #tpu.memory_space<semaphore_mem>>)
      } else {
      }
      %ge3A_208 = arith.constant 1 : i32
      %ge3A_209 = arith.cmpi sge, %add3A_186, %ge3A_208 : i32
      %sub3A_210 = arith.constant 1 : i32
      %sub3A_211 = arith.subi %add3A_186, %sub3A_210 : i32
      %lt3A_212 = arith.cmpi slt, %sub3A_211, %add3A_8 : i32
      %and3A_213 = arith.andi %ge3A_209, %lt3A_212 : i1
      %sub3A_214 = arith.constant 1 : i32
      %sub3A_215 = arith.subi %add3A_186, %sub3A_214 : i32
      %convert_element_type3A_216 = arith.extui %and3A_213 : i1 to i32
      %cond3A_217 = arith.constant 0 : i32
      %cond3A_218 = arith.cmpi ne, %convert_element_type3A_216, %cond3A_217 : i32
      scf.if %cond3A_218 {
        %mul3A_327 = arith.constant 4 : i32
        %mul3A_328 = arith.muli %arg1, %mul3A_327 : i32
        %add3A_329 = arith.constant 3 : i32
        %add3A_330 = arith.addi %mul3A_328, %add3A_329 : i32
        %mul3A_331 = arith.constant 40 : i32
        %mul3A_332 = arith.muli %add3A_330, %mul3A_331 : i32
        %multiple_of3A_333 = tpu.assume_multiple %mul3A_332, 40 : i32
        %dma_wait3A = arith.constant 0 : i32
        %dma_wait3A_334 = tpu.memref_slice %arg14[%multiple_of3A_333, %dma_wait3A] : memref<2560x256xf32, #tpu.memory_space<vmem_shared>> -> memref<40x256xf32, #tpu.memory_space<vmem_shared>>
        %dma_wait3A_335 = arith.constant 0 : i32
        %dma_wait3A_336 = tpu.memref_slice %arg14[%multiple_of3A_333, %dma_wait3A_335] : memref<2560x256xf32, #tpu.memory_space<vmem_shared>> -> memref<40x256xf32, #tpu.memory_space<vmem_shared>>
        tpu.wait_dma2 semaphore(%arg26 : memref<!tpu.dma_semaphore, #tpu.memory_space<semaphore_mem>>) src(%arg9 : memref<40x256xf32, #tpu.memory_space<vmem>>) dst(%dma_wait3A_336 : memref<40x256xf32, #tpu.memory_space<vmem_shared>>)
        %add3A_337 = arith.addi %add3A_4, %sub3A_215 : i32
        %mul3A_338 = arith.constant 40 : i32
        %mul3A_339 = arith.muli %add3A_337, %mul3A_338 : i32
        %mul3A_340 = arith.constant 4 : i32
        %mul3A_341 = arith.muli %arg1, %mul3A_340 : i32
        %add3A_342 = arith.constant 3 : i32
        %add3A_343 = arith.addi %mul3A_341, %add3A_342 : i32
        %mul3A_344 = arith.constant 40 : i32
        %mul3A_345 = arith.muli %add3A_343, %mul3A_344 : i32
        %multiple_of3A_346 = tpu.assume_multiple %mul3A_345, 40 : i32
        %dma_start3A_347 = arith.constant 0 : i32
        %dma_start3A_348 = tpu.memref_slice %arg4[%mul3A_339, %dma_start3A_347] : memref<100000x256xf32, #tpu.memory_space<hbm>> -> memref<40x256xf32, #tpu.memory_space<hbm>>
        %dma_start3A_349 = arith.constant 0 : i32
        %dma_start3A_350 = tpu.memref_slice %arg14[%multiple_of3A_346, %dma_start3A_349] : memref<2560x256xf32, #tpu.memory_space<vmem_shared>> -> memref<40x256xf32, #tpu.memory_space<vmem_shared>>
        tpu.enqueue_dma source(%dma_start3A_350 : memref<40x256xf32, #tpu.memory_space<vmem_shared>>) target(%dma_start3A_348 : memref<40x256xf32, #tpu.memory_space<hbm>>) target_semaphore(%arg30 : memref<!tpu.dma_semaphore, #tpu.memory_space<semaphore_mem>>)
      } else {
      }
      %mul3A_219 = arith.constant 8 : i32
      %mul3A_220 = arith.muli %scan3A_41, %mul3A_219 : i32
      %add3A_221 = arith.constant 5 : i32
      %add3A_222 = arith.addi %mul3A_220, %add3A_221 : i32
      %add3A_223 = arith.constant 4 : i32
      %add3A_224 = arith.addi %add3A_222, %add3A_223 : i32
      %lt3A_225 = arith.cmpi slt, %add3A_224, %add3A_8 : i32
      %convert_element_type3A_226 = arith.extui %lt3A_225 : i1 to i32
      %cond3A_227 = arith.constant 0 : i32
      %cond3A_228 = arith.cmpi ne, %convert_element_type3A_226, %cond3A_227 : i32
      scf.if %cond3A_228 {
        %mul3A_327 = arith.constant 40 : i32
        %mul3A_328 = arith.muli %add3A_224, %mul3A_327 : i32
        %multiple_of3A_329 = tpu.assume_multiple %mul3A_328, 40 : i32
        %dma_start3A_330 = tpu.memref_slice %arg5[%multiple_of3A_329] : memref<3160xi32, #tpu.memory_space<vmem>> -> memref<40xi32, #tpu.memory_space<vmem>>
        %dma_start3A_331 = arith.constant 0 : i32
        %dma_start3A_332 = arith.constant 0 : i32
        %dma_start3A_333 = tpu.memref_slice %arg3[%dma_start3A_331, %dma_start3A_332] : memref<100000x256xf32, #tpu.memory_space<hbm>> -> memref<100000x256xf32, #tpu.memory_space<hbm>>
        tpu.enqueue_indirect_dma source(%dma_start3A_333 : memref<100000x256xf32, #tpu.memory_space<hbm>>) target(%arg7 : memref<40x256xf32, #tpu.memory_space<vmem>>) offsets(%dma_start3A_330 : memref<40xi32, #tpu.memory_space<vmem>>) semaphore(%arg16 : memref<!tpu.dma_semaphore, #tpu.memory_space<semaphore_mem>>)
      } else {
      }
      %ge3A_229 = arith.constant 4 : i32
      %ge3A_230 = arith.cmpi sge, %add3A_222, %ge3A_229 : i32
      %sub3A_231 = arith.constant 4 : i32
      %sub3A_232 = arith.subi %add3A_222, %sub3A_231 : i32
      %lt3A_233 = arith.cmpi slt, %sub3A_232, %add3A_8 : i32
      %and3A_234 = arith.andi %ge3A_230, %lt3A_233 : i1
      %sub3A_235 = arith.constant 4 : i32
      %sub3A_236 = arith.subi %add3A_222, %sub3A_235 : i32
      %convert_element_type3A_237 = arith.extui %and3A_234 : i1 to i32
      %cond3A_238 = arith.constant 0 : i32
      %cond3A_239 = arith.cmpi ne, %convert_element_type3A_237, %cond3A_238 : i32
      scf.if %cond3A_239 {
        %add3A_327 = arith.addi %add3A_4, %sub3A_236 : i32
        %mul3A_328 = arith.constant 40 : i32
        %mul3A_329 = arith.muli %add3A_327, %mul3A_328 : i32
        %mul3A_330 = arith.constant 4 : i32
        %mul3A_331 = arith.muli %arg1, %mul3A_330 : i32
        %add3A_332 = arith.constant 1 : i32
        %add3A_333 = arith.addi %mul3A_331, %add3A_332 : i32
        %mul3A_334 = arith.constant 40 : i32
        %mul3A_335 = arith.muli %add3A_333, %mul3A_334 : i32
        %multiple_of3A_336 = tpu.assume_multiple %mul3A_335, 40 : i32
        %dma_wait3A = arith.constant 0 : i32
        %dma_wait3A_337 = tpu.memref_slice %arg4[%mul3A_329, %dma_wait3A] : memref<100000x256xf32, #tpu.memory_space<hbm>> -> memref<40x256xf32, #tpu.memory_space<hbm>>
        %dma_wait3A_338 = arith.constant 0 : i32
        %dma_wait3A_339 = tpu.memref_slice %arg14[%multiple_of3A_336, %dma_wait3A_338] : memref<2560x256xf32, #tpu.memory_space<vmem_shared>> -> memref<40x256xf32, #tpu.memory_space<vmem_shared>>
        tpu.wait_dma2 semaphore(%arg28 : memref<!tpu.dma_semaphore, #tpu.memory_space<semaphore_mem>>) src(%dma_wait3A_339 : memref<40x256xf32, #tpu.memory_space<vmem_shared>>) dst(%dma_wait3A_337 : memref<40x256xf32, #tpu.memory_space<hbm>>)
      } else {
      }
      %lt3A_240 = arith.cmpi slt, %add3A_222, %add3A_8 : i32
      %convert_element_type3A_241 = arith.extui %lt3A_240 : i1 to i32
      %cond3A_242 = arith.constant 0 : i32
      %cond3A_243 = arith.cmpi ne, %convert_element_type3A_241, %cond3A_242 : i32
      scf.if %cond3A_243 {
        %mul3A_327 = arith.constant 40 : i32
        %mul3A_328 = arith.muli %add3A_222, %mul3A_327 : i32
        %multiple_of3A_329 = tpu.assume_multiple %mul3A_328, 40 : i32
        %dma_wait3A = tpu.memref_slice %arg5[%multiple_of3A_329] : memref<3160xi32, #tpu.memory_space<vmem>> -> memref<40xi32, #tpu.memory_space<vmem>>
        %dma_wait3A_330 = arith.constant 0 : i32
        %dma_wait3A_331 = arith.constant 0 : i32
        %dma_wait3A_332 = tpu.memref_slice %arg3[%dma_wait3A_330, %dma_wait3A_331] : memref<100000x256xf32, #tpu.memory_space<hbm>> -> memref<100000x256xf32, #tpu.memory_space<hbm>>
        tpu.wait_indirect_dma semaphore(%arg20 : memref<!tpu.dma_semaphore, #tpu.memory_space<semaphore_mem>>) src(%dma_wait3A_332 : memref<100000x256xf32, #tpu.memory_space<hbm>>) dst(%arg11 : memref<40x256xf32, #tpu.memory_space<vmem>>)
        %mul3A_333 = arith.constant 4 : i32
        %mul3A_334 = arith.muli %arg1, %mul3A_333 : i32
        %add3A_335 = arith.constant 1 : i32
        %add3A_336 = arith.addi %mul3A_334, %add3A_335 : i32
        %mul3A_337 = arith.constant 40 : i32
        %mul3A_338 = arith.muli %add3A_336, %mul3A_337 : i32
        %multiple_of3A_339 = tpu.assume_multiple %mul3A_338, 40 : i32
        %dma_start3A_340 = arith.constant 0 : i32
        %dma_start3A_341 = tpu.memref_slice %arg14[%multiple_of3A_339, %dma_start3A_340] : memref<2560x256xf32, #tpu.memory_space<vmem_shared>> -> memref<40x256xf32, #tpu.memory_space<vmem_shared>>
        %dma_start3A_342 = arith.constant 0 : i32
        %dma_start3A_343 = tpu.memref_slice %arg14[%multiple_of3A_339, %dma_start3A_342] : memref<2560x256xf32, #tpu.memory_space<vmem_shared>> -> memref<40x256xf32, #tpu.memory_space<vmem_shared>>
        tpu.enqueue_dma source(%arg11 : memref<40x256xf32, #tpu.memory_space<vmem>>) target(%dma_start3A_343 : memref<40x256xf32, #tpu.memory_space<vmem_shared>>) target_semaphore(%arg24 : memref<!tpu.dma_semaphore, #tpu.memory_space<semaphore_mem>>)
      } else {
      }
      %ge3A_244 = arith.constant 1 : i32
      %ge3A_245 = arith.cmpi sge, %add3A_222, %ge3A_244 : i32
      %sub3A_246 = arith.constant 1 : i32
      %sub3A_247 = arith.subi %add3A_222, %sub3A_246 : i32
      %lt3A_248 = arith.cmpi slt, %sub3A_247, %add3A_8 : i32
      %and3A_249 = arith.andi %ge3A_245, %lt3A_248 : i1
      %sub3A_250 = arith.constant 1 : i32
      %sub3A_251 = arith.subi %add3A_222, %sub3A_250 : i32
      %convert_element_type3A_252 = arith.extui %and3A_249 : i1 to i32
      %cond3A_253 = arith.constant 0 : i32
      %cond3A_254 = arith.cmpi ne, %convert_element_type3A_252, %cond3A_253 : i32
      scf.if %cond3A_254 {
        %mul3A_327 = arith.constant 4 : i32
        %mul3A_328 = arith.muli %arg1, %mul3A_327 : i32
        %add3A_329 = arith.constant 0 : i32
        %add3A_330 = arith.addi %mul3A_328, %add3A_329 : i32
        %mul3A_331 = arith.constant 40 : i32
        %mul3A_332 = arith.muli %add3A_330, %mul3A_331 : i32
        %multiple_of3A_333 = tpu.assume_multiple %mul3A_332, 40 : i32
        %dma_wait3A = arith.constant 0 : i32
        %dma_wait3A_334 = tpu.memref_slice %arg14[%multiple_of3A_333, %dma_wait3A] : memref<2560x256xf32, #tpu.memory_space<vmem_shared>> -> memref<40x256xf32, #tpu.memory_space<vmem_shared>>
        %dma_wait3A_335 = arith.constant 0 : i32
        %dma_wait3A_336 = tpu.memref_slice %arg14[%multiple_of3A_333, %dma_wait3A_335] : memref<2560x256xf32, #tpu.memory_space<vmem_shared>> -> memref<40x256xf32, #tpu.memory_space<vmem_shared>>
        tpu.wait_dma2 semaphore(%arg23 : memref<!tpu.dma_semaphore, #tpu.memory_space<semaphore_mem>>) src(%arg10 : memref<40x256xf32, #tpu.memory_space<vmem>>) dst(%dma_wait3A_336 : memref<40x256xf32, #tpu.memory_space<vmem_shared>>)
        %add3A_337 = arith.addi %add3A_4, %sub3A_251 : i32
        %mul3A_338 = arith.constant 40 : i32
        %mul3A_339 = arith.muli %add3A_337, %mul3A_338 : i32
        %mul3A_340 = arith.constant 4 : i32
        %mul3A_341 = arith.muli %arg1, %mul3A_340 : i32
        %add3A_342 = arith.constant 0 : i32
        %add3A_343 = arith.addi %mul3A_341, %add3A_342 : i32
        %mul3A_344 = arith.constant 40 : i32
        %mul3A_345 = arith.muli %add3A_343, %mul3A_344 : i32
        %multiple_of3A_346 = tpu.assume_multiple %mul3A_345, 40 : i32
        %dma_start3A_347 = arith.constant 0 : i32
        %dma_start3A_348 = tpu.memref_slice %arg4[%mul3A_339, %dma_start3A_347] : memref<100000x256xf32, #tpu.memory_space<hbm>> -> memref<40x256xf32, #tpu.memory_space<hbm>>
        %dma_start3A_349 = arith.constant 0 : i32
        %dma_start3A_350 = tpu.memref_slice %arg14[%multiple_of3A_346, %dma_start3A_349] : memref<2560x256xf32, #tpu.memory_space<vmem_shared>> -> memref<40x256xf32, #tpu.memory_space<vmem_shared>>
        tpu.enqueue_dma source(%dma_start3A_350 : memref<40x256xf32, #tpu.memory_space<vmem_shared>>) target(%dma_start3A_348 : memref<40x256xf32, #tpu.memory_space<hbm>>) target_semaphore(%arg27 : memref<!tpu.dma_semaphore, #tpu.memory_space<semaphore_mem>>)
      } else {
      }
      %mul3A_255 = arith.constant 8 : i32
      %mul3A_256 = arith.muli %scan3A_41, %mul3A_255 : i32
      %add3A_257 = arith.constant 6 : i32
      %add3A_258 = arith.addi %mul3A_256, %add3A_257 : i32
      %add3A_259 = arith.constant 4 : i32
      %add3A_260 = arith.addi %add3A_258, %add3A_259 : i32
      %lt3A_261 = arith.cmpi slt, %add3A_260, %add3A_8 : i32
      %convert_element_type3A_262 = arith.extui %lt3A_261 : i1 to i32
      %cond3A_263 = arith.constant 0 : i32
      %cond3A_264 = arith.cmpi ne, %convert_element_type3A_262, %cond3A_263 : i32
      scf.if %cond3A_264 {
        %mul3A_327 = arith.constant 40 : i32
        %mul3A_328 = arith.muli %add3A_260, %mul3A_327 : i32
        %multiple_of3A_329 = tpu.assume_multiple %mul3A_328, 40 : i32
        %dma_start3A_330 = tpu.memref_slice %arg5[%multiple_of3A_329] : memref<3160xi32, #tpu.memory_space<vmem>> -> memref<40xi32, #tpu.memory_space<vmem>>
        %dma_start3A_331 = arith.constant 0 : i32
        %dma_start3A_332 = arith.constant 0 : i32
        %dma_start3A_333 = tpu.memref_slice %arg3[%dma_start3A_331, %dma_start3A_332] : memref<100000x256xf32, #tpu.memory_space<hbm>> -> memref<100000x256xf32, #tpu.memory_space<hbm>>
        tpu.enqueue_indirect_dma source(%dma_start3A_333 : memref<100000x256xf32, #tpu.memory_space<hbm>>) target(%arg8 : memref<40x256xf32, #tpu.memory_space<vmem>>) offsets(%dma_start3A_330 : memref<40xi32, #tpu.memory_space<vmem>>) semaphore(%arg17 : memref<!tpu.dma_semaphore, #tpu.memory_space<semaphore_mem>>)
      } else {
      }
      %ge3A_265 = arith.constant 4 : i32
      %ge3A_266 = arith.cmpi sge, %add3A_258, %ge3A_265 : i32
      %sub3A_267 = arith.constant 4 : i32
      %sub3A_268 = arith.subi %add3A_258, %sub3A_267 : i32
      %lt3A_269 = arith.cmpi slt, %sub3A_268, %add3A_8 : i32
      %and3A_270 = arith.andi %ge3A_266, %lt3A_269 : i1
      %sub3A_271 = arith.constant 4 : i32
      %sub3A_272 = arith.subi %add3A_258, %sub3A_271 : i32
      %convert_element_type3A_273 = arith.extui %and3A_270 : i1 to i32
      %cond3A_274 = arith.constant 0 : i32
      %cond3A_275 = arith.cmpi ne, %convert_element_type3A_273, %cond3A_274 : i32
      scf.if %cond3A_275 {
        %add3A_327 = arith.addi %add3A_4, %sub3A_272 : i32
        %mul3A_328 = arith.constant 40 : i32
        %mul3A_329 = arith.muli %add3A_327, %mul3A_328 : i32
        %mul3A_330 = arith.constant 4 : i32
        %mul3A_331 = arith.muli %arg1, %mul3A_330 : i32
        %add3A_332 = arith.constant 2 : i32
        %add3A_333 = arith.addi %mul3A_331, %add3A_332 : i32
        %mul3A_334 = arith.constant 40 : i32
        %mul3A_335 = arith.muli %add3A_333, %mul3A_334 : i32
        %multiple_of3A_336 = tpu.assume_multiple %mul3A_335, 40 : i32
        %dma_wait3A = arith.constant 0 : i32
        %dma_wait3A_337 = tpu.memref_slice %arg4[%mul3A_329, %dma_wait3A] : memref<100000x256xf32, #tpu.memory_space<hbm>> -> memref<40x256xf32, #tpu.memory_space<hbm>>
        %dma_wait3A_338 = arith.constant 0 : i32
        %dma_wait3A_339 = tpu.memref_slice %arg14[%multiple_of3A_336, %dma_wait3A_338] : memref<2560x256xf32, #tpu.memory_space<vmem_shared>> -> memref<40x256xf32, #tpu.memory_space<vmem_shared>>
        tpu.wait_dma2 semaphore(%arg29 : memref<!tpu.dma_semaphore, #tpu.memory_space<semaphore_mem>>) src(%dma_wait3A_339 : memref<40x256xf32, #tpu.memory_space<vmem_shared>>) dst(%dma_wait3A_337 : memref<40x256xf32, #tpu.memory_space<hbm>>)
      } else {
      }
      %lt3A_276 = arith.cmpi slt, %add3A_258, %add3A_8 : i32
      %convert_element_type3A_277 = arith.extui %lt3A_276 : i1 to i32
      %cond3A_278 = arith.constant 0 : i32
      %cond3A_279 = arith.cmpi ne, %convert_element_type3A_277, %cond3A_278 : i32
      scf.if %cond3A_279 {
        %mul3A_327 = arith.constant 40 : i32
        %mul3A_328 = arith.muli %add3A_258, %mul3A_327 : i32
        %multiple_of3A_329 = tpu.assume_multiple %mul3A_328, 40 : i32
        %dma_wait3A = tpu.memref_slice %arg5[%multiple_of3A_329] : memref<3160xi32, #tpu.memory_space<vmem>> -> memref<40xi32, #tpu.memory_space<vmem>>
        %dma_wait3A_330 = arith.constant 0 : i32
        %dma_wait3A_331 = arith.constant 0 : i32
        %dma_wait3A_332 = tpu.memref_slice %arg3[%dma_wait3A_330, %dma_wait3A_331] : memref<100000x256xf32, #tpu.memory_space<hbm>> -> memref<100000x256xf32, #tpu.memory_space<hbm>>
        tpu.wait_indirect_dma semaphore(%arg21 : memref<!tpu.dma_semaphore, #tpu.memory_space<semaphore_mem>>) src(%dma_wait3A_332 : memref<100000x256xf32, #tpu.memory_space<hbm>>) dst(%arg12 : memref<40x256xf32, #tpu.memory_space<vmem>>)
        %mul3A_333 = arith.constant 4 : i32
        %mul3A_334 = arith.muli %arg1, %mul3A_333 : i32
        %add3A_335 = arith.constant 2 : i32
        %add3A_336 = arith.addi %mul3A_334, %add3A_335 : i32
        %mul3A_337 = arith.constant 40 : i32
        %mul3A_338 = arith.muli %add3A_336, %mul3A_337 : i32
        %multiple_of3A_339 = tpu.assume_multiple %mul3A_338, 40 : i32
        %dma_start3A_340 = arith.constant 0 : i32
        %dma_start3A_341 = tpu.memref_slice %arg14[%multiple_of3A_339, %dma_start3A_340] : memref<2560x256xf32, #tpu.memory_space<vmem_shared>> -> memref<40x256xf32, #tpu.memory_space<vmem_shared>>
        %dma_start3A_342 = arith.constant 0 : i32
        %dma_start3A_343 = tpu.memref_slice %arg14[%multiple_of3A_339, %dma_start3A_342] : memref<2560x256xf32, #tpu.memory_space<vmem_shared>> -> memref<40x256xf32, #tpu.memory_space<vmem_shared>>
        tpu.enqueue_dma source(%arg12 : memref<40x256xf32, #tpu.memory_space<vmem>>) target(%dma_start3A_343 : memref<40x256xf32, #tpu.memory_space<vmem_shared>>) target_semaphore(%arg25 : memref<!tpu.dma_semaphore, #tpu.memory_space<semaphore_mem>>)
      } else {
      }
      %ge3A_280 = arith.constant 1 : i32
      %ge3A_281 = arith.cmpi sge, %add3A_258, %ge3A_280 : i32
      %sub3A_282 = arith.constant 1 : i32
      %sub3A_283 = arith.subi %add3A_258, %sub3A_282 : i32
      %lt3A_284 = arith.cmpi slt, %sub3A_283, %add3A_8 : i32
      %and3A_285 = arith.andi %ge3A_281, %lt3A_284 : i1
      %sub3A_286 = arith.constant 1 : i32
      %sub3A_287 = arith.subi %add3A_258, %sub3A_286 : i32
      %convert_element_type3A_288 = arith.extui %and3A_285 : i1 to i32
      %cond3A_289 = arith.constant 0 : i32
      %cond3A_290 = arith.cmpi ne, %convert_element_type3A_288, %cond3A_289 : i32
      scf.if %cond3A_290 {
        %mul3A_327 = arith.constant 4 : i32
        %mul3A_328 = arith.muli %arg1, %mul3A_327 : i32
        %add3A_329 = arith.constant 1 : i32
        %add3A_330 = arith.addi %mul3A_328, %add3A_329 : i32
        %mul3A_331 = arith.constant 40 : i32
        %mul3A_332 = arith.muli %add3A_330, %mul3A_331 : i32
        %multiple_of3A_333 = tpu.assume_multiple %mul3A_332, 40 : i32
        %dma_wait3A = arith.constant 0 : i32
        %dma_wait3A_334 = tpu.memref_slice %arg14[%multiple_of3A_333, %dma_wait3A] : memref<2560x256xf32, #tpu.memory_space<vmem_shared>> -> memref<40x256xf32, #tpu.memory_space<vmem_shared>>
        %dma_wait3A_335 = arith.constant 0 : i32
        %dma_wait3A_336 = tpu.memref_slice %arg14[%multiple_of3A_333, %dma_wait3A_335] : memref<2560x256xf32, #tpu.memory_space<vmem_shared>> -> memref<40x256xf32, #tpu.memory_space<vmem_shared>>
        tpu.wait_dma2 semaphore(%arg24 : memref<!tpu.dma_semaphore, #tpu.memory_space<semaphore_mem>>) src(%arg11 : memref<40x256xf32, #tpu.memory_space<vmem>>) dst(%dma_wait3A_336 : memref<40x256xf32, #tpu.memory_space<vmem_shared>>)
        %add3A_337 = arith.addi %add3A_4, %sub3A_287 : i32
        %mul3A_338 = arith.constant 40 : i32
        %mul3A_339 = arith.muli %add3A_337, %mul3A_338 : i32
        %mul3A_340 = arith.constant 4 : i32
        %mul3A_341 = arith.muli %arg1, %mul3A_340 : i32
        %add3A_342 = arith.constant 1 : i32
        %add3A_343 = arith.addi %mul3A_341, %add3A_342 : i32
        %mul3A_344 = arith.constant 40 : i32
        %mul3A_345 = arith.muli %add3A_343, %mul3A_344 : i32
        %multiple_of3A_346 = tpu.assume_multiple %mul3A_345, 40 : i32
        %dma_start3A_347 = arith.constant 0 : i32
        %dma_start3A_348 = tpu.memref_slice %arg4[%mul3A_339, %dma_start3A_347] : memref<100000x256xf32, #tpu.memory_space<hbm>> -> memref<40x256xf32, #tpu.memory_space<hbm>>
        %dma_start3A_349 = arith.constant 0 : i32
        %dma_start3A_350 = tpu.memref_slice %arg14[%multiple_of3A_346, %dma_start3A_349] : memref<2560x256xf32, #tpu.memory_space<vmem_shared>> -> memref<40x256xf32, #tpu.memory_space<vmem_shared>>
        tpu.enqueue_dma source(%dma_start3A_350 : memref<40x256xf32, #tpu.memory_space<vmem_shared>>) target(%dma_start3A_348 : memref<40x256xf32, #tpu.memory_space<hbm>>) target_semaphore(%arg28 : memref<!tpu.dma_semaphore, #tpu.memory_space<semaphore_mem>>)
      } else {
      }
      %mul3A_291 = arith.constant 8 : i32
      %mul3A_292 = arith.muli %scan3A_41, %mul3A_291 : i32
      %add3A_293 = arith.constant 7 : i32
      %add3A_294 = arith.addi %mul3A_292, %add3A_293 : i32
      %add3A_295 = arith.constant 4 : i32
      %add3A_296 = arith.addi %add3A_294, %add3A_295 : i32
      %lt3A_297 = arith.cmpi slt, %add3A_296, %add3A_8 : i32
      %convert_element_type3A_298 = arith.extui %lt3A_297 : i1 to i32
      %cond3A_299 = arith.constant 0 : i32
      %cond3A_300 = arith.cmpi ne, %convert_element_type3A_298, %cond3A_299 : i32
      scf.if %cond3A_300 {
        %mul3A_327 = arith.constant 40 : i32
        %mul3A_328 = arith.muli %add3A_296, %mul3A_327 : i32
        %multiple_of3A_329 = tpu.assume_multiple %mul3A_328, 40 : i32
        %dma_start3A_330 = tpu.memref_slice %arg5[%multiple_of3A_329] : memref<3160xi32, #tpu.memory_space<vmem>> -> memref<40xi32, #tpu.memory_space<vmem>>
        %dma_start3A_331 = arith.constant 0 : i32
        %dma_start3A_332 = arith.constant 0 : i32
        %dma_start3A_333 = tpu.memref_slice %arg3[%dma_start3A_331, %dma_start3A_332] : memref<100000x256xf32, #tpu.memory_space<hbm>> -> memref<100000x256xf32, #tpu.memory_space<hbm>>
        tpu.enqueue_indirect_dma source(%dma_start3A_333 : memref<100000x256xf32, #tpu.memory_space<hbm>>) target(%arg9 : memref<40x256xf32, #tpu.memory_space<vmem>>) offsets(%dma_start3A_330 : memref<40xi32, #tpu.memory_space<vmem>>) semaphore(%arg18 : memref<!tpu.dma_semaphore, #tpu.memory_space<semaphore_mem>>)
      } else {
      }
      %ge3A_301 = arith.constant 4 : i32
      %ge3A_302 = arith.cmpi sge, %add3A_294, %ge3A_301 : i32
      %sub3A_303 = arith.constant 4 : i32
      %sub3A_304 = arith.subi %add3A_294, %sub3A_303 : i32
      %lt3A_305 = arith.cmpi slt, %sub3A_304, %add3A_8 : i32
      %and3A_306 = arith.andi %ge3A_302, %lt3A_305 : i1
      %sub3A_307 = arith.constant 4 : i32
      %sub3A_308 = arith.subi %add3A_294, %sub3A_307 : i32
      %convert_element_type3A_309 = arith.extui %and3A_306 : i1 to i32
      %cond3A_310 = arith.constant 0 : i32
      %cond3A_311 = arith.cmpi ne, %convert_element_type3A_309, %cond3A_310 : i32
      scf.if %cond3A_311 {
        %add3A_327 = arith.addi %add3A_4, %sub3A_308 : i32
        %mul3A_328 = arith.constant 40 : i32
        %mul3A_329 = arith.muli %add3A_327, %mul3A_328 : i32
        %mul3A_330 = arith.constant 4 : i32
        %mul3A_331 = arith.muli %arg1, %mul3A_330 : i32
        %add3A_332 = arith.constant 3 : i32
        %add3A_333 = arith.addi %mul3A_331, %add3A_332 : i32
        %mul3A_334 = arith.constant 40 : i32
        %mul3A_335 = arith.muli %add3A_333, %mul3A_334 : i32
        %multiple_of3A_336 = tpu.assume_multiple %mul3A_335, 40 : i32
        %dma_wait3A = arith.constant 0 : i32
        %dma_wait3A_337 = tpu.memref_slice %arg4[%mul3A_329, %dma_wait3A] : memref<100000x256xf32, #tpu.memory_space<hbm>> -> memref<40x256xf32, #tpu.memory_space<hbm>>
        %dma_wait3A_338 = arith.constant 0 : i32
        %dma_wait3A_339 = tpu.memref_slice %arg14[%multiple_of3A_336, %dma_wait3A_338] : memref<2560x256xf32, #tpu.memory_space<vmem_shared>> -> memref<40x256xf32, #tpu.memory_space<vmem_shared>>
        tpu.wait_dma2 semaphore(%arg30 : memref<!tpu.dma_semaphore, #tpu.memory_space<semaphore_mem>>) src(%dma_wait3A_339 : memref<40x256xf32, #tpu.memory_space<vmem_shared>>) dst(%dma_wait3A_337 : memref<40x256xf32, #tpu.memory_space<hbm>>)
      } else {
      }
      %lt3A_312 = arith.cmpi slt, %add3A_294, %add3A_8 : i32
      %convert_element_type3A_313 = arith.extui %lt3A_312 : i1 to i32
      %cond3A_314 = arith.constant 0 : i32
      %cond3A_315 = arith.cmpi ne, %convert_element_type3A_313, %cond3A_314 : i32
      scf.if %cond3A_315 {
        %mul3A_327 = arith.constant 40 : i32
        %mul3A_328 = arith.muli %add3A_294, %mul3A_327 : i32
        %multiple_of3A_329 = tpu.assume_multiple %mul3A_328, 40 : i32
        %dma_wait3A = tpu.memref_slice %arg5[%multiple_of3A_329] : memref<3160xi32, #tpu.memory_space<vmem>> -> memref<40xi32, #tpu.memory_space<vmem>>
        %dma_wait3A_330 = arith.constant 0 : i32
        %dma_wait3A_331 = arith.constant 0 : i32
        %dma_wait3A_332 = tpu.memref_slice %arg3[%dma_wait3A_330, %dma_wait3A_331] : memref<100000x256xf32, #tpu.memory_space<hbm>> -> memref<100000x256xf32, #tpu.memory_space<hbm>>
        tpu.wait_indirect_dma semaphore(%arg22 : memref<!tpu.dma_semaphore, #tpu.memory_space<semaphore_mem>>) src(%dma_wait3A_332 : memref<100000x256xf32, #tpu.memory_space<hbm>>) dst(%arg13 : memref<40x256xf32, #tpu.memory_space<vmem>>)
        %mul3A_333 = arith.constant 4 : i32
        %mul3A_334 = arith.muli %arg1, %mul3A_333 : i32
        %add3A_335 = arith.constant 3 : i32
        %add3A_336 = arith.addi %mul3A_334, %add3A_335 : i32
        %mul3A_337 = arith.constant 40 : i32
        %mul3A_338 = arith.muli %add3A_336, %mul3A_337 : i32
        %multiple_of3A_339 = tpu.assume_multiple %mul3A_338, 40 : i32
        %dma_start3A_340 = arith.constant 0 : i32
        %dma_start3A_341 = tpu.memref_slice %arg14[%multiple_of3A_339, %dma_start3A_340] : memref<2560x256xf32, #tpu.memory_space<vmem_shared>> -> memref<40x256xf32, #tpu.memory_space<vmem_shared>>
        %dma_start3A_342 = arith.constant 0 : i32
        %dma_start3A_343 = tpu.memref_slice %arg14[%multiple_of3A_339, %dma_start3A_342] : memref<2560x256xf32, #tpu.memory_space<vmem_shared>> -> memref<40x256xf32, #tpu.memory_space<vmem_shared>>
        tpu.enqueue_dma source(%arg13 : memref<40x256xf32, #tpu.memory_space<vmem>>) target(%dma_start3A_343 : memref<40x256xf32, #tpu.memory_space<vmem_shared>>) target_semaphore(%arg26 : memref<!tpu.dma_semaphore, #tpu.memory_space<semaphore_mem>>)
      } else {
      }
      %ge3A_316 = arith.constant 1 : i32
      %ge3A_317 = arith.cmpi sge, %add3A_294, %ge3A_316 : i32
      %sub3A_318 = arith.constant 1 : i32
      %sub3A_319 = arith.subi %add3A_294, %sub3A_318 : i32
      %lt3A_320 = arith.cmpi slt, %sub3A_319, %add3A_8 : i32
      %and3A_321 = arith.andi %ge3A_317, %lt3A_320 : i1
      %sub3A_322 = arith.constant 1 : i32
      %sub3A_323 = arith.subi %add3A_294, %sub3A_322 : i32
      %convert_element_type3A_324 = arith.extui %and3A_321 : i1 to i32
      %cond3A_325 = arith.constant 0 : i32
      %cond3A_326 = arith.cmpi ne, %convert_element_type3A_324, %cond3A_325 : i32
      scf.if %cond3A_326 {
        %mul3A_327 = arith.constant 4 : i32
        %mul3A_328 = arith.muli %arg1, %mul3A_327 : i32
        %add3A_329 = arith.constant 2 : i32
        %add3A_330 = arith.addi %mul3A_328, %add3A_329 : i32
        %mul3A_331 = arith.constant 40 : i32
        %mul3A_332 = arith.muli %add3A_330, %mul3A_331 : i32
        %multiple_of3A_333 = tpu.assume_multiple %mul3A_332, 40 : i32
        %dma_wait3A = arith.constant 0 : i32
        %dma_wait3A_334 = tpu.memref_slice %arg14[%multiple_of3A_333, %dma_wait3A] : memref<2560x256xf32, #tpu.memory_space<vmem_shared>> -> memref<40x256xf32, #tpu.memory_space<vmem_shared>>
        %dma_wait3A_335 = arith.constant 0 : i32
        %dma_wait3A_336 = tpu.memref_slice %arg14[%multiple_of3A_333, %dma_wait3A_335] : memref<2560x256xf32, #tpu.memory_space<vmem_shared>> -> memref<40x256xf32, #tpu.memory_space<vmem_shared>>
        tpu.wait_dma2 semaphore(%arg25 : memref<!tpu.dma_semaphore, #tpu.memory_space<semaphore_mem>>) src(%arg12 : memref<40x256xf32, #tpu.memory_space<vmem>>) dst(%dma_wait3A_336 : memref<40x256xf32, #tpu.memory_space<vmem_shared>>)
        %add3A_337 = arith.addi %add3A_4, %sub3A_323 : i32
        %mul3A_338 = arith.constant 40 : i32
        %mul3A_339 = arith.muli %add3A_337, %mul3A_338 : i32
        %mul3A_340 = arith.constant 4 : i32
        %mul3A_341 = arith.muli %arg1, %mul3A_340 : i32
        %add3A_342 = arith.constant 2 : i32
        %add3A_343 = arith.addi %mul3A_341, %add3A_342 : i32
        %mul3A_344 = arith.constant 40 : i32
        %mul3A_345 = arith.muli %add3A_343, %mul3A_344 : i32
        %multiple_of3A_346 = tpu.assume_multiple %mul3A_345, 40 : i32
        %dma_start3A_347 = arith.constant 0 : i32
        %dma_start3A_348 = tpu.memref_slice %arg4[%mul3A_339, %dma_start3A_347] : memref<100000x256xf32, #tpu.memory_space<hbm>> -> memref<40x256xf32, #tpu.memory_space<hbm>>
        %dma_start3A_349 = arith.constant 0 : i32
        %dma_start3A_350 = tpu.memref_slice %arg14[%multiple_of3A_346, %dma_start3A_349] : memref<2560x256xf32, #tpu.memory_space<vmem_shared>> -> memref<40x256xf32, #tpu.memory_space<vmem_shared>>
        tpu.enqueue_dma source(%dma_start3A_350 : memref<40x256xf32, #tpu.memory_space<vmem_shared>>) target(%dma_start3A_348 : memref<40x256xf32, #tpu.memory_space<hbm>>) target_semaphore(%arg29 : memref<!tpu.dma_semaphore, #tpu.memory_space<semaphore_mem>>)
      } else {
      }
    }
    %scan3A_40 = arith.constant 11 : i32
    return
  }
}

</mosaic_0001>

<sc_bundles>
// kernel: kernel.3.cloned.1.call-start
scs
__scs_entry_jumppad:
0x0: {  	(pc) =	sbr.rel $0x88, $3  }
0x1: {  	(tag) =	ssettag $0x0;
	lr =	simm.s32 $0x1  }
0x2: {  	[smem:$0x3F9E] =	sst lr;
	_ =	strace $0xD0000000  }
0x3: {  	_ = 	snop  }
0x4: {  	_ = 	snop  }
0x5: {  	_ = 	snop  }
0x6: {  	_ = 	snop  }
0x7: {  	_ = 	snop  }
__scs_overlays_trampoline_lowered:
0x8: {  	[smem:$0x3FAD] =	sst s0  }
0x9: {  	[smem:$0x3FAE] =	sst s1  }
0xa: {  	[smem:$0x3FAF] =	sst s2  }
0xb: {  	[smem:$0x3FB0] =	sst s3  }
0xc: {  	[smem:$0x3FB1] =	sst s4  }
0xd: {  	[smem:$0x3FB2] =	sst s5  }
0xe: {  	[smem:$0x3FB3] =	sst s6  }
0xf: {  	[smem:$0x3FB4] =	sst s7  }
0x10: {  	[smem:$0x3FB5] =	sst s8  }
0x11: {  	[smem:$0x3FB6] =	sst s9;
	s0 =	simm.s32 @!p0 $0x0  }
0x12: {  	s1 =	sld [smem:$0x3F9C];
	s0 =	simm.s32 @p0 $0x1  }
0x13: {  	[smem:$0x3FB7] =	sst s0;
	s0 =	simm.s32 @!p1 $0x0  }
0x14: {  	s2 =	sld [smem:$0x3F9B];
	s0 =	simm.s32 @p1 $0x1  }
0x15: {  	[smem:$0x3FB8] =	sst s0;
	s0 =	simm.s32 @!p2 $0x0  }
0x16: {  	s3 =	sld [smem:$0x3FDB];
	s0 =	simm.s32 @p2 $0x1  }
0x17: {  	s4 =	simm.s32 $0x1BF5;
	[smem:$0x3FBA] =	sst s0  }
0x18: {  	s0 =	sld [smem:$0x3F9D];
	_ =	swait.ge [sflag:s4], $0x0  }
0x19: {  	s7 =	sld [smem:$0x3F9E]  }
0x1a: {  	s8 =	sadd.s32 $0xFFFFE003, lr  }
0x1b: {  	s9 =	sadd.s32 $0xFFFFFEF7, lr;
	s5 =	simm.s32 $0xFFFFFFFF;
	p2 =	slt.u32 s8, $0xFFFFF086  }
0x1c: {  	p1 =	slt.u32 s9, $0xF7A;
	s5 =	simm.s32 @!p2 $0x0  }
0x1d: {  	s5 =	simm.s32 @p1 $0x1;
	p0 =	seq.s32 s7, s2  }
0x1e: {  	s7 =	smul.u32 @!p0 $0xF7A, s2;
	p2 =	seq.s32 @!p0 s5, $0x0  }
0x1f: {  	s9 =	smul.u32 $0xF7A, s1;
	s8 =	simm.s32 @!p0 $0x1BF5;
	p2 =	por !p2, p0  }
0x20: {  	[sflag:s8] =	ssyncset.s32 @!p0 $0xFFFFF086;
	s6 =	sadd.s32 @!p0 s3, s7;
	s7 =	simm.s32 @!p0 $0x108  }
0x21: {  	s3 =	sadd.s32 s3, s9;
	s6 =	sadd.s32 @!p0 $0x88, s6;
	s7 =	simm.s32 @p2 $0x1082  }
0x22: {  	[simem:s7], [sflag:s8] =	dma.local @!p0 [hbm:s6], $0xF7A  }
0x23: {  	s9 =	sor.u32 $0xD0000000, s2;
	s6 =	simm.s32 $0x108;
	_ =	swait.ge @!p0 [sflag:s8], $0x0  }
0x24: {  	s3 =	sadd.s32 $0x88, s3;
	s6 =	simm.s32 @!p1 $0x1082;
	[sflag:s4] =	ssyncset.s32 $0xFFFFF086  }
0x25: {  	[simem:s6], [sflag:s4] =	dma.local [hbm:s3], $0xF7A  }
0x26: {  	[smem:$0x3F9E] =	sst s1;
	(tag) =	ssettag s2;
	_ =	strace s9  }
0x27: {  	s1 =	sld [smem:$0x3FAE]  }
0x28: {  	s2 =	sld [smem:$0x3FAF]  }
0x29: {  	s4 =	sld [smem:$0x3FB1]  }
0x2a: {  	p0 =	seq.s32 s5, $0x0;
	s5 =	sld [smem:$0x3FB2]  }
0x2b: {  	s6 =	sld [smem:$0x3FB3]  }
0x2c: {  	s7 =	sld [smem:$0x3FB4]  }
0x2d: {  	s3 =	simm.s32 $0x108;
	s8 =	sld [smem:$0x3FB5]  }
0x2e: {  	s3 =	simm.s32 @!p0 $0x1082;
	s9 =	sld [smem:$0x3FB6]  }
0x2f: {  	lr =	sadd.s32 s0, s3;
	s0 =	sld [smem:$0x3FAD]  }
0x30: {  	s3 =	sld [smem:$0x3FB0]  }
0x31: {  	[smem:$0x3FB9] =	sst s10  }
0x32: {  	s10 =	sld [smem:$0x3FB7];
	_ =	sdelay $0x3  }
0x33: {  	p0 =	seq.s32 s10, $0x1;
	s10 =	sld [smem:$0x3FB9];
	_ =	sdelay $0x3  }
0x34: {  	[smem:$0x3FB9] =	sst s10  }
0x35: {  	s10 =	sld [smem:$0x3FB8];
	_ =	sdelay $0x3  }
0x36: {  	p1 =	seq.s32 s10, $0x1;
	s10 =	sld [smem:$0x3FB9];
	_ =	sdelay $0x3  }
0x37: {  	[smem:$0x3FB9] =	sst s10  }
0x38: {  	s10 =	sld [smem:$0x3FBA]  }
0x39: {  	_ = 	snop;
	(pc) =	sbr.ind lr, $3  }
0x3a: {  	_ = 	snop  }
0x3b: {  	_ = 	snop  }
0x3c: {  	p2 =	seq.s32 s10, $0x1;
	s10 =	sld [smem:$0x3FB9]  }
0x3d: {  	_ =	shalt  }
0x3e: {  	_ =	shalt  }
0x3f: {  	_ =	shalt  }
0x40: {  	_ =	shalt  }
0x41: {  	_ =	shalt  }
0x42: {  	_ =	shalt  }
0x43: {  	_ =	shalt  }
0x44: {  	_ =	shalt  }
0x45: {  	_ =	shalt  }
0x46: {  	_ =	shalt  }
0x47: {  	_ =	shalt  }
0x48: {  	_ =	shalt  }
0x49: {  	_ =	shalt  }
0x4a: {  	_ =	shalt  }
0x4b: {  	_ =	shalt  }
0x4c: {  	_ =	shalt  }
0x4d: {  	_ =	shalt  }
0x4e: {  	_ =	shalt  }
0x4f: {  	_ =	shalt  }
0x50: {  	_ =	shalt  }
0x51: {  	_ =	shalt  }
0x52: {  	_ =	shalt  }
0x53: {  	_ =	shalt  }
0x54: {  	_ =	shalt  }
0x55: {  	_ =	shalt  }
0x56: {  	_ =	shalt  }
0x57: {  	_ =	shalt  }
0x58: {  	_ =	shalt  }
0x59: {  	_ =	shalt  }
0x5a: {  	_ =	shalt  }
0x5b: {  	_ =	shalt  }
0x5c: {  	_ =	shalt  }
0x5d: {  	_ =	shalt  }
0x5e: {  	_ =	shalt  }
0x5f: {  	_ =	shalt  }
0x60: {  	_ =	shalt  }
0x61: {  	_ =	shalt  }
0x62: {  	_ =	shalt  }
0x63: {  	_ =	shalt  }
0x64: {  	_ =	shalt  }
0x65: {  	_ =	shalt  }
0x66: {  	_ =	shalt  }
0x67: {  	_ =	shalt  }
0x68: {  	_ =	shalt  }
0x69: {  	_ =	shalt  }
0x6a: {  	_ =	shalt  }
0x6b: {  	_ =	shalt  }
0x6c: {  	_ =	shalt  }
0x6d: {  	_ =	shalt  }
0x6e: {  	_ =	shalt  }
0x6f: {  	_ =	shalt  }
0x70: {  	_ =	shalt  }
0x71: {  	_ =	shalt  }
0x72: {  	_ =	shalt  }
0x73: {  	_ =	shalt  }
0x74: {  	_ =	shalt  }
0x75: {  	_ =	shalt  }
0x76: {  	_ =	shalt  }
0x77: {  	_ =	shalt  }
0x78: {  	_ =	shalt  }
0x79: {  	_ =	shalt  }
0x7a: {  	_ =	shalt  }
0x7b: {  	_ =	shalt  }
0x7c: {  	_ =	shalt  }
0x7d: {  	_ =	shalt  }
0x7e: {  	_ =	shalt  }
0x7f: {  	_ =	shalt  }
0x80: {  	_ =	shalt  }
0x81: {  	_ =	shalt  }
0x82: {  	_ =	shalt  }
0x83: {  	_ =	shalt  }
0x84: {  	_ =	shalt  }
0x85: {  	_ =	shalt  }
0x86: {  	_ =	shalt  }
0x87: {  	_ =	shalt  }
.Lfunc_end0:
.L_simem_size_0:
called_computation_lowered:
.L_overlay_start_0:
0x88: {  	s2 =	sld [smem:$0x3FD9]  }
0x89: {  	s3 =	sld [smem:$0x3FFE];
	_ =	sdelay $0x1  }
0x8a: {  	s1 =	srdreg.scid  }
0x8b: {  	s0 =	sand.u32 $0x1, s1  }
0x8c: {  	s15 =	sshll.u32 s0, $0xA;
	s2 =	sadd.s32 s3, s2  }
0x8d: {  	s2 =	sadd.s32 s2, s15  }
0x8e: {  	[smem:$0x3FC5] =	sst s2  }
0x8f: {  	_ = 	snop  }
0x90: {  	s2 =	sld [smem:$0x3FD0];
	_ =	sdelay $0x1  }
0x91: {  	s16 =	sld [smem:$0x3FC9]  }
0x92: {  	s5 =	simm.s32 $0xA;
	s6 =	simm.s32 $0x10;
	s4 =	sld [smem:$0x3FC7]  }
0x93: {  	[smem:s6], [sflag:s5] =	dma.local [hbm:s2], $0x1  }
0x94: {  	_ =	swait.eq [sflag:s5], $0x1  }
0x95: {  	[sflag:s5] =	ssyncset.done $0x0  }
0x96: {  	[sflag:s5] =	ssyncadd.s32 $0xFFFFFFFF  }
0x97: {  	s17 =	sld [smem:$0x11];
	(tm) =	ssettm $0x1  }
0x98: {  	s18 =	sld [smem:$0x3FFB];
	_ =	sdelay $0x3  }
0x99: {  	_ =	strace s18  }
0x9a: {  	s5 =	sld [smem:$0x3FFC];
	_ =	sdelay $0x3  }
0x9b: {  	_ =	strace s5  }
0x9c: {  	s5 =	sld [smem:$0x3FFD];
	_ =	sdelay $0x3  }
0x9d: {  	_ =	strace s5  }
0x9e: {  	_ =	strace $0x8FFFFFFF  }
0x9f: {  	s19 =	sld [smem:$0x3FDB];
	_ =	sdelay $0x1  }
0xa0: {  	s20 =	simm.s32 $_scs_section_size  }
0xa1: {  	s7 =	simm.s32 $_size__tile_overlayer_lowered;
	s8 =	simm.s32 $_tile_overlayer_lowered  }
0xa2: {  	s23 =	simm.s32 $0x1BFF;
	s22 =	sshll.u32 s8, $0x1;
	s5 =	sadd.s32 s20, s19  }
0xa3: {  	s9 =	simm.s32 $0x0;
	s21 =	sshll.u32 s7, $0x1;
	s7 =	sadd.s32 s22, s5  }
0xa4: {  	[timem:s9], [sflag:s23] =	dma.local [hbm:s7], s21  }
0xa5: {  	_ =	swait.ge [sflag:s23], s21  }
0xa6: {  	s6 =	ssub.s32 $0x0, s21;
	[sflag:s23] =	ssyncset.done $0x0  }
0xa7: {  	[sflag:s23] =	ssyncadd.s32 s6;
	_ =	sdelay $0x1  }
0xa8: {  	s24 =	simm.s32 $0x1B8B  }
0xa9: {  	_ =	swait.ge [sflag:s24], $0x1  }
0xaa: {  	[sflag:s24] =	ssyncset.done $0x0  }
0xab: {  	s25 =	simm.s32 $0x1B8E;
	[sflag:s24] =	ssyncadd.s32 $0xFFFFFFFF  }
0xac: {  	s26 =	simm.s32 $execute0_lowered;
	[smem:$0x3FD2] =	sst s25  }
0xad: {  	s6 =	sshll.u32 s26, $0x1;
	_ =	strace $0x80000046;
	[dreg:$0x1] =	wrdreg $0xFFFFFFFF  }
0xae: {  	s28 =	simm.s32 $_size_execute0_lowered;
	s5 =	sadd.s32 s5, s6;
	[dreg:$0x0] =	wrdreg $0x0  }
0xaf: {  	s6 =	sshll.u32 s28, $0x1;
	[dreg:$0x2] =	wrdreg s5  }
0xb0: {  	[dreg:$0x3] =	wrdreg s6  }
0xb1: {  	[dreg:$0x4] =	wrdreg $0xC0  }
0xb2: {  	_ =	task [dreg:s9], $0x5FFFF  }
0xb3: {  	[dreg:$0x1] =	wrdreg $0xFFFFFFFF  }
0xb4: {  	[dreg:$0x0] =	wrdreg $0x60  }
0xb5: {  	[dreg:$0x2] =	wrdreg s16  }
0xb6: {  	[dreg:$0x3] =	wrdreg s4  }
0xb7: {  	[dreg:$0x4] =	wrdreg s17  }
0xb8: {  	[dreg:$0x5] =	wrdreg $0x14C800  }
0xb9: {  	[dreg:$0x6] =	wrdreg $0x9  }
0xba: {  	_ =	task.clear_ibuf [dreg:s9], $0x7FFFF;
	_ =	strace $0x90000046  }
0xbb: {  	s29 =	simm.s32 $0x9;
	_ =	strace $0x80000048  }
0xbc: {  	_ =	swait.ge [sflag:s29], $0x1  }
0xbd: {  	[sflag:s29] =	ssyncadd.s32 $0xFFFFFFFF  }
0xbe: {  	_ =	strace $0x90000048  }
0xbf: {  	_ =	sfence  }
0xc0: {  	s30 =	sld [smem:$0x0];
	_ =	sdelay $0x2  }
0xc1: {  	s31 =	sshll.u32 s1, $0xD;
	s1 =	sshrl.u32 s1, $0x2  }
0xc2: {  	s3 =	sand.u32 $0x4000, s31;
	s1 =	sadd.s32 s1, s30  }
0xc3: {  	s0 =	sor.u32 s3, s0;
	s1 =	sshll.u32 s1, $0x11  }
0xc4: {  	s0 =	sor.u32 s1, s0  }
0xc5: {  	s0 =	sadd.s32 $0x8F2B, s0  }
0xc6: {  	[sflag:s0] =	ssyncadd.remote.s32 $0x1  }
0xc7: {  	_ =	sfence.sel $0xFFFF  }
0xc8: {  	[dreg:$0x0] =	wrdreg $0xFFFFFFFF;
	(pc) =	sbr.abs _section_cstart, $3  }
0xc9: {  	[dreg:$0x1] =	wrdreg $0xFFFFFFFF  }
0xca: {  	_ =	task.clear_ibuf [dreg:s9], $0x2FFFF;
	_ =	strace $0x9FFFFFFF  }
0xcb: {  	(tm) =	ssettm $0x7FFFFFFF  }
tec
execute0_lowered:
.L_overlay_start_1:
0x0: {  	(tag) =	ssettag $0x1  }
0x1: {  	s6 =	rddreg [dreg:$0x0]  }
0x2: {  	s1 =	srdreg.scid;
	s2 =	rddreg [dreg:$0x1]  }
0x3: {  	s0 =	stileid.u32;
	s8 =	rddreg [dreg:$0x3]  }
0x4: {  	s16 =	simm.s32 $0x8C80;
	s17 =	simm.s32 $0x9480;
	s30 =	smul.u32 $0x28000, s0  }
0x5: {  	s18 =	simm.s32 $0x9C80;
	s19 =	simm.s32 $0xA480;
	s11 =	smul.u32 $0x30C00, s0  }
0x6: {  	s20 =	simm.s32 $0x0;
	s1 =	sand.u32 $0x1, s1;
	s14 =	smul.u32 $0x9C, s0  }
0x7: {  	s3 =	sshll.u32 s0, $0x1;
	p0 =	slt.u32 s0, $0x2;
	s31 =	smul.u32 $0x4E, s1  }
0x8: {  	s4 =	sor.u32 s1, s3;
	s7 =	ssub.s32 $0x2, s1;
	s1 =	smul.u32 $0x18600, s1  }
0x9: {  	s3 =	rddreg [dreg:$0x2];
	s5 =	smul.u32 $0x4E, s4;
	s10 =	smin.u32 s4, $0x4  }
0xa: {  	s4 =	simm.s32 $0x0;
	s9 =	sshrl.u32 s7, $0x1;
	s11 =	sadd.s32 s11, s3  }
0xb: {  	[smem:$0x7FF] =	sst s4;
	s12 =	ssub.s32 s7, s9;
	s5 =	sadd.s32 s10, s5  }
0xc: {  	s9 =	sshrl.u32 s30, $0x2;
	s14 =	sadd.s32 s14, s10;
	s5 =	smul.u32 $0x28, s5  }
0xd: {  	s15 =	smul.u32 $0x500, s10;
	s1 =	sadd.s32 s1, s11;
	_ =	strace $0x80000047  }
0xe: {  	s8 =	sadd.s32 s9, s8;
	s29 =	sshrl.u32 s5, $0x3;
	s5 =	simm.s32 $0x4F  }
0xf: {  	s12 =	smax.u32 s12, $0x1;
	s9 =	sadd.s32 $0x7800, s8;
	s5 =	simm.s32 @!p0 $0x4E  }
0x10: {  	s10 =	sadd.s32 $0x2800, s8;
	s6 =	sadd.s32 s6, s29;
	s13 =	sadd.s32 $0x2, s5  }
0x11: {  	p0 =	sgt.u32 s0, $0x1;
	[dreg:$0x5] =	wrdreg s13;
	s13 =	sadd.s32 s31, s14  }
0x12: {  	v2 =	vlaneseq.u32;
	s14 =	smul.u32 $0x2800, s13;
	s13 =	sadd.s32 s15, s1;
	s1 =	simm.s32 @!p0 $0x0  }
0x13: {  	vm0 =	vmmov $0xffff;
	v1 =	vshrl.u32 v2, $0x3;
	s11 =	sadd.s32 $0x5000, s8;
	s7 =	sadd.s32 $0x186, s6;
	s1 =	simm.s32 @p0 $0x1  }
0x14: {  	v0 =	vand.u32 $0x7, v2;
	v2 =	vor.u32 $0x8, v2;
	v1 =	vmul.u32 $0x8, v1;
	s15 =	simm.s32 $0x11;
	s22 =	sadd.s32 $0xFFFFD800, s14;
	[smem:$0x7FD] =	sst s1  }
.LBB2_1:
0x15: {  	[tilespmem:s4], [sflag:$0x11] =	stream.linear.gather [hbm4b:s6+s4], $0xC30, $0x38;
	[tilespmem:$0x1EC80] =	vst v63  }
0x16: {  	_ =	swait.ge [sflag:s15], $0xC30  }
0x17: {  	s1 =	sld [smem:$0x7FD];
	_ =	sdelay $0x2  }
0x18: {  	[sflag:s15] =	ssyncset.done $0x0;
	p0 =	seq.s32 s1, $0x1  }
0x19: {  	[sflag:s15] =	ssyncadd.s32 $0xFFFFF3D0;
	s14 =	simm.s32 @!p0 $0x0;
	s21 =	simm.s32 @!p0 $0xC30  }
0x1a: {  	[tilespmem:s21], [sflag:$0x11] =	stream.linear.gather @!p0 [hbm4b:s7+s14], $0x28, $0x38;
	[tilespmem:$0x1EC80] =	vst v63  }
0x1b: {  	s14 =	simm.s32 @!p0 $0x11  }
0x1c: {  	_ =	swait.ge @!p0 [sflag:s14], $0x28  }
0x1d: {  	[sflag:s14] =	ssyncset.done @!p0 $0x0  }
0x1e: {  	[sflag:s14] =	ssyncadd.s32 @!p0 $0xFFFFFFD8  }
0x1f: {  	v3 =	vld [tilespmem:$0x0];
	_ =	sdelay $0x4  }
0x20: {  	v4 =	vshll.u32 v3, $0x1  }
0x21: {  	v3 =	vand.u32 $0x7, v3;
	v4 =	vand.u32 $0xFFFFFFF0, v4  }
0x22: {  	v3 =	vor.u32 v3, v4  }
0x23: {  	v4 =	vperm.xlane v3, v0;
	_ =	sdelay $0x1  }
0x24: {  	v3 =	vperm.xlane v3, v2;
	v4 =	vadd.s32 v1, v4;
	_ =	sdelay $0x1  }
0x25: {  	v3 =	vadd.s32 v1, v3;
	_ =	sdelay $0x1  }
0x26: {  	s25 =	simm.s32 $0xC80  }
0x27: {  	[tilespmem:s25], [sflag:$0x1] =	stream.indirect_vreg.gather [hbm4b:s2+s4], $0x80, v4, vm0, $0xb8;
	[tilespmem:$0x1EC80] =	vst v63  }
0x28: {  	s26 =	simm.s32 $0x1480  }
0x29: {  	[tilespmem:s26], [sflag:$0x1] =	stream.indirect_vreg.gather [hbm4b:s2+s4], $0x80, v3, vm0, $0xb8;
	[tilespmem:$0x1EC80] =	vst v63  }
0x2a: {  	v3 =	vld [tilespmem:$0x10];
	_ =	sdelay $0x4  }
0x2b: {  	v53 =	vshll.u32 v3, $0x1  }
0x2c: {  	v3 =	vand.u32 $0x7, v3;
	v4 =	vand.u32 $0xFFFFFFF0, v53  }
0x2d: {  	v3 =	vor.u32 v3, v4  }
0x2e: {  	v4 =	vperm.xlane v3, v0;
	_ =	sdelay $0x1  }
0x2f: {  	v3 =	vperm.xlane v3, v2;
	v4 =	vadd.s32 v1, v4;
	_ =	sdelay $0x1  }
0x30: {  	v3 =	vadd.s32 v1, v3;
	_ =	sdelay $0x1  }
0x31: {  	s28 =	simm.s32 $0x1C80  }
0x32: {  	[tilespmem:s28], [sflag:$0x1] =	stream.indirect_vreg.gather [hbm4b:s2+s4], $0x80, v4, vm0, $0xb8;
	[tilespmem:$0x1EC80] =	vst v63  }
0x33: {  	s29 =	simm.s32 $0x2480  }
0x34: {  	[tilespmem:s29], [sflag:$0x1] =	stream.indirect_vreg.gather [hbm4b:s2+s4], $0x80, v3, vm0, $0xb8;
	[tilespmem:$0x1EC80] =	vst v63  }
0x35: {  	v3 =	vld.msk [tilespmem:$0x20], $0xff;
	_ =	sdelay $0x4  }
0x36: {  	v54 =	vshll.u32 v3, $0x1  }
0x37: {  	v3 =	vand.u32 $0x7, v3;
	v4 =	vand.u32 $0xFFFFFFF0, v54  }
0x38: {  	v3 =	vor.u32 v3, v4  }
0x39: {  	v3 =	vperm.xlane v3, v0;
	_ =	sdelay $0x1  }
0x3a: {  	v3 =	vadd.s32 v1, v3;
	_ =	sdelay $0x3  }
0x3b: {  	s30 =	simm.s32 $0x2C80  }
0x3c: {  	[tilespmem:s30], [sflag:$0x1] =	stream.indirect_vreg.gather [hbm4b:s2+s4], $0x80, v3, vm0, $0xb8;
	[tilespmem:$0x1EC80] =	vst v63  }
0x3d: {  	v3 =	vld [tilespmem:$0x28];
	_ =	sdelay $0x4  }
0x3e: {  	v55 =	vshll.u32 v3, $0x1  }
0x3f: {  	v3 =	vand.u32 $0x7, v3;
	v4 =	vand.u32 $0xFFFFFFF0, v55  }
0x40: {  	v3 =	vor.u32 v3, v4  }
0x41: {  	v4 =	vperm.xlane v3, v0;
	_ =	sdelay $0x1  }
0x42: {  	v3 =	vperm.xlane v3, v2;
	v4 =	vadd.s32 v1, v4;
	_ =	sdelay $0x1  }
0x43: {  	v3 =	vadd.s32 v1, v3;
	_ =	sdelay $0x1  }
0x44: {  	s31 =	simm.s32 $0x3480  }
0x45: {  	[tilespmem:s31], [sflag:$0x2] =	stream.indirect_vreg.gather [hbm4b:s2+s4], $0x80, v4, vm0, $0xb8;
	[tilespmem:$0x1EC80] =	vst v63  }
0x46: {  	s14 =	simm.s32 $0x3C80  }
0x47: {  	[tilespmem:s14], [sflag:$0x2] =	stream.indirect_vreg.gather [hbm4b:s2+s4], $0x80, v3, vm0, $0xb8;
	[tilespmem:$0x1EC80] =	vst v63  }
0x48: {  	v3 =	vld [tilespmem:$0x38];
	_ =	sdelay $0x4  }
0x49: {  	v56 =	vshll.u32 v3, $0x1  }
0x4a: {  	v3 =	vand.u32 $0x7, v3;
	v4 =	vand.u32 $0xFFFFFFF0, v56  }
0x4b: {  	v3 =	vor.u32 v3, v4  }
0x4c: {  	v4 =	vperm.xlane v3, v0;
	_ =	sdelay $0x1  }
0x4d: {  	v3 =	vperm.xlane v3, v2;
	v4 =	vadd.s32 v1, v4;
	_ =	sdelay $0x1  }
0x4e: {  	v3 =	vadd.s32 v1, v3;
	_ =	sdelay $0x1  }
0x4f: {  	s21 =	simm.s32 $0x4480  }
0x50: {  	[tilespmem:s21], [sflag:$0x2] =	stream.indirect_vreg.gather [hbm4b:s2+s4], $0x80, v4, vm0, $0xb8;
	[tilespmem:$0x1EC80] =	vst v63  }
0x51: {  	s23 =	simm.s32 $0x4C80  }
0x52: {  	[tilespmem:s23], [sflag:$0x2] =	stream.indirect_vreg.gather [hbm4b:s2+s4], $0x80, v3, vm0, $0xb8;
	[tilespmem:$0x1EC80] =	vst v63  }
0x53: {  	v3 =	vld.msk [tilespmem:$0x48], $0xff;
	_ =	sdelay $0x4  }
0x54: {  	v57 =	vshll.u32 v3, $0x1  }
0x55: {  	v3 =	vand.u32 $0x7, v3;
	v4 =	vand.u32 $0xFFFFFFF0, v57  }
0x56: {  	v3 =	vor.u32 v3, v4  }
0x57: {  	v3 =	vperm.xlane v3, v0;
	_ =	sdelay $0x1  }
0x58: {  	v3 =	vadd.s32 v1, v3;
	_ =	sdelay $0x3  }
0x59: {  	s24 =	simm.s32 $0x5480  }
0x5a: {  	[tilespmem:s24], [sflag:$0x2] =	stream.indirect_vreg.gather [hbm4b:s2+s4], $0x80, v3, vm0, $0xb8;
	[tilespmem:$0x1EC80] =	vst v63  }
0x5b: {  	v3 =	vld [tilespmem:$0x50];
	_ =	sdelay $0x4  }
0x5c: {  	v58 =	vshll.u32 v3, $0x1  }
0x5d: {  	v3 =	vand.u32 $0x7, v3;
	v4 =	vand.u32 $0xFFFFFFF0, v58  }
0x5e: {  	v3 =	vor.u32 v3, v4  }
0x5f: {  	v4 =	vperm.xlane v3, v0;
	_ =	sdelay $0x1  }
0x60: {  	v3 =	vperm.xlane v3, v2;
	v4 =	vadd.s32 v1, v4;
	_ =	sdelay $0x1  }
0x61: {  	v3 =	vadd.s32 v1, v3;
	_ =	sdelay $0x1  }
0x62: {  	s25 =	simm.s32 $0x5C80  }
0x63: {  	[tilespmem:s25], [sflag:$0x3] =	stream.indirect_vreg.gather [hbm4b:s2+s4], $0x80, v4, vm0, $0xb8;
	[tilespmem:$0x1EC80] =	vst v63  }
0x64: {  	s26 =	simm.s32 $0x6480  }
0x65: {  	[tilespmem:s26], [sflag:$0x3] =	stream.indirect_vreg.gather [hbm4b:s2+s4], $0x80, v3, vm0, $0xb8;
	[tilespmem:$0x1EC80] =	vst v63  }
0x66: {  	v3 =	vld [tilespmem:$0x60];
	_ =	sdelay $0x4  }
0x67: {  	v59 =	vshll.u32 v3, $0x1  }
0x68: {  	v3 =	vand.u32 $0x7, v3;
	v4 =	vand.u32 $0xFFFFFFF0, v59  }
0x69: {  	v3 =	vor.u32 v3, v4  }
0x6a: {  	v4 =	vperm.xlane v3, v0;
	_ =	sdelay $0x1  }
0x6b: {  	v3 =	vperm.xlane v3, v2;
	v4 =	vadd.s32 v1, v4;
	_ =	sdelay $0x1  }
0x6c: {  	v3 =	vadd.s32 v1, v3;
	_ =	sdelay $0x1  }
0x6d: {  	s28 =	simm.s32 $0x6C80  }
0x6e: {  	[tilespmem:s28], [sflag:$0x3] =	stream.indirect_vreg.gather [hbm4b:s2+s4], $0x80, v4, vm0, $0xb8;
	[tilespmem:$0x1EC80] =	vst v63  }
0x6f: {  	s29 =	simm.s32 $0x7480  }
0x70: {  	[tilespmem:s29], [sflag:$0x3] =	stream.indirect_vreg.gather [hbm4b:s2+s4], $0x80, v3, vm0, $0xb8;
	[tilespmem:$0x1EC80] =	vst v63  }
0x71: {  	v3 =	vld.msk [tilespmem:$0x70], $0xff;
	_ =	sdelay $0x4  }
0x72: {  	v60 =	vshll.u32 v3, $0x1  }
0x73: {  	v3 =	vand.u32 $0x7, v3;
	v4 =	vand.u32 $0xFFFFFFF0, v60  }
0x74: {  	v3 =	vor.u32 v3, v4  }
0x75: {  	v3 =	vperm.xlane v3, v0;
	_ =	sdelay $0x1  }
0x76: {  	v3 =	vadd.s32 v1, v3;
	_ =	sdelay $0x3  }
0x77: {  	s30 =	simm.s32 $0x7C80  }
0x78: {  	[tilespmem:s30], [sflag:$0x3] =	stream.indirect_vreg.gather [hbm4b:s2+s4], $0x80, v3, vm0, $0xb8;
	[tilespmem:$0x1EC80] =	vst v63  }
0x79: {  	v3 =	vld [tilespmem:$0x78];
	_ =	sdelay $0x4  }
0x7a: {  	v61 =	vshll.u32 v3, $0x1  }
0x7b: {  	v3 =	vand.u32 $0x7, v3;
	v4 =	vand.u32 $0xFFFFFFF0, v61  }
0x7c: {  	v3 =	vor.u32 v3, v4  }
0x7d: {  	v4 =	vperm.xlane v3, v0;
	_ =	sdelay $0x1  }
0x7e: {  	v3 =	vperm.xlane v3, v2;
	v4 =	vadd.s32 v1, v4;
	_ =	sdelay $0x1  }
0x7f: {  	v3 =	vadd.s32 v1, v3;
	_ =	sdelay $0x1  }
0x80: {  	s31 =	simm.s32 $0x8480  }
0x81: {  	[tilespmem:s31], [sflag:$0x4] =	stream.indirect_vreg.gather [hbm4b:s2+s4], $0x80, v4, vm0, $0xb8;
	[tilespmem:$0x1EC80] =	vst v63  }
0x82: {  	_ = 	snop  }
0x83: {  	[tilespmem:s16], [sflag:$0x4] =	stream.indirect_vreg.gather [hbm4b:s2+s4], $0x80, v3, vm0, $0xb8;
	[tilespmem:$0x1EC80] =	vst v63  }
0x84: {  	v3 =	vld [tilespmem:$0x88];
	_ =	sdelay $0x4  }
0x85: {  	v62 =	vshll.u32 v3, $0x1  }
0x86: {  	v3 =	vand.u32 $0x7, v3;
	v4 =	vand.u32 $0xFFFFFFF0, v62  }
0x87: {  	v3 =	vor.u32 v3, v4  }
0x88: {  	v4 =	vperm.xlane v3, v0;
	_ =	sdelay $0x1  }
0x89: {  	v3 =	vperm.xlane v3, v2;
	v4 =	vadd.s32 v1, v4;
	_ =	sdelay $0x1  }
0x8a: {  	v3 =	vadd.s32 v1, v3;
	_ =	sdelay $0x2  }
0x8b: {  	[tilespmem:s17], [sflag:$0x4] =	stream.indirect_vreg.gather [hbm4b:s2+s4], $0x80, v4, vm0, $0xb8;
	[tilespmem:$0x1EC80] =	vst v63  }
0x8c: {  	_ = 	snop  }
0x8d: {  	[tilespmem:s18], [sflag:$0x4] =	stream.indirect_vreg.gather [hbm4b:s2+s4], $0x80, v3, vm0, $0xb8;
	[tilespmem:$0x1EC80] =	vst v63  }
0x8e: {  	v3 =	vld.msk [tilespmem:$0x98], $0xff;
	_ =	sdelay $0x4  }
0x8f: {  	v63 =	vshll.u32 v3, $0x1  }
0x90: {  	v3 =	vand.u32 $0x7, v3;
	v4 =	vand.u32 $0xFFFFFFF0, v63  }
0x91: {  	v3 =	vor.u32 v3, v4  }
0x92: {  	v3 =	vperm.xlane v3, v0;
	_ =	sdelay $0x1  }
0x93: {  	v3 =	vadd.s32 v1, v3;
	_ =	sdelay $0x2  }
0x94: {  	s14 =	smov.u32 s22  }
0x95: {  	s21 =	simm.s32 $0xF0;
	s23 =	simm.s32 $0x0;
	s24 =	simm.s32 $0x0  }
0x96: {  	[tilespmem:s19], [sflag:$0x4] =	stream.indirect_vreg.gather [hbm4b:s2+s4], $0x80, v3, vm0, $0xb8;
	[tilespmem:$0x1EC80] =	vst v63  }
.LBB2_2:
0x97: {  	s25 =	sadd.s32 $0x4, s24  }
0x98: {  	p1 =	sge.u32 s25, s5  }
0x99: {  	v3 =	vld @!p1 [tilespmem:s21+$0xFFFFFFB0];
	_ =	sdelay $0x4  }
0x9a: {  	v4 =	vshll.u32 @!p1 v3, $0x1  }
0x9b: {  	v5 =	vlaneseq.u32 @!p1;
	v3 =	vand.u32 @!p1 $0x7, v3;
	v4 =	vand.u32 @!p1 $0xFFFFFFF0, v4  }
0x9c: {  	v6 =	vshrl.u32 @!p1 v5, $0x3;
	v3 =	vor.u32 @!p1 v3, v4;
	v4 =	vand.u32 @!p1 $0x7, v5  }
0x9d: {  	v6 =	vmul.u32 @!p1 $0x8, v6;
	v7 =	vperm.xlane @!p1 v3, v4  }
0x9e: {  	v5 =	vor.u32 @!p1 $0x8, v5  }
0x9f: {  	v3 =	vperm.xlane @!p1 v3, v5;
	v7 =	vadd.s32 @!p1 v6, v7;
	_ =	sdelay $0x1  }
0xa0: {  	v3 =	vadd.s32 @!p1 v6, v3;
	_ =	sdelay $0x1  }
0xa1: {  	vm1 =	vmmov @!p1 $0xffff;
	s26 =	simm.s32 @!p1 $0x0;
	s25 =	simm.s32 @!p1 $0xAC80  }
0xa2: {  	[tilespmem:s25], [sflag:$0x5] =	stream.indirect_vreg.gather @!p1 [hbm4b:s2+s26], $0x80, v7, vm1, $0xb8;
	[tilespmem:$0x1EC80] =	vst v63  }
0xa3: {  	s28 =	simm.s32 @!p1 $0xB480  }
0xa4: {  	[tilespmem:s28], [sflag:$0x5] =	stream.indirect_vreg.gather @!p1 [hbm4b:s2+s26], $0x80, v3, vm1, $0xb8;
	[tilespmem:$0x1EC80] =	vst v63  }
0xa5: {  	v3 =	vld @!p1 [tilespmem:s21+$0xFFFFFFC0];
	_ =	sdelay $0x4  }
0xa6: {  	v7 =	vshll.u32 @!p1 v3, $0x1  }
0xa7: {  	v3 =	vand.u32 @!p1 $0x7, v3;
	v7 =	vand.u32 @!p1 $0xFFFFFFF0, v7  }
0xa8: {  	v3 =	vor.u32 @!p1 v3, v7  }
0xa9: {  	v7 =	vperm.xlane @!p1 v3, v4;
	_ =	sdelay $0x1  }
0xaa: {  	v3 =	vperm.xlane @!p1 v3, v5;
	v7 =	vadd.s32 @!p1 v6, v7;
	_ =	sdelay $0x1  }
0xab: {  	v3 =	vadd.s32 @!p1 v6, v3;
	_ =	sdelay $0x1  }
0xac: {  	s28 =	simm.s32 @!p1 $0xBC80  }
0xad: {  	[tilespmem:s28], [sflag:$0x5] =	stream.indirect_vreg.gather @!p1 [hbm4b:s2+s26], $0x80, v7, vm1, $0xb8;
	[tilespmem:$0x1EC80] =	vst v63  }
0xae: {  	s28 =	simm.s32 @!p1 $0xC480  }
0xaf: {  	[tilespmem:s28], [sflag:$0x5] =	stream.indirect_vreg.gather @!p1 [hbm4b:s2+s26], $0x80, v3, vm1, $0xb8;
	[tilespmem:$0x1EC80] =	vst v63  }
0xb0: {  	v3 =	vld.msk @!p1 [tilespmem:s21+$0xFFFFFFD0], $0xff;
	_ =	sdelay $0x4  }
0xb1: {  	v5 =	vshll.u32 @!p1 v3, $0x1  }
0xb2: {  	v3 =	vand.u32 @!p1 $0x7, v3;
	v5 =	vand.u32 @!p1 $0xFFFFFFF0, v5  }
0xb3: {  	v3 =	vor.u32 @!p1 v3, v5  }
0xb4: {  	v3 =	vperm.xlane @!p1 v3, v4;
	_ =	sdelay $0x1  }
0xb5: {  	v3 =	vadd.s32 @!p1 v6, v3;
	_ =	sdelay $0x3  }
0xb6: {  	p0 =	seq.s32 s24, $0x0;
	s28 =	simm.s32 @!p1 $0xCC80  }
0xb7: {  	[tilespmem:s28], [sflag:$0x5] =	stream.indirect_vreg.gather @!p1 [hbm4b:s2+s26], $0x80, v3, vm1, $0xb8;
	[tilespmem:$0x1EC80] =	vst v63  }
0xb8: {  	s26 =	simm.s32 @!p0 $0xD  }
0xb9: {  	p4 =	sge.u32 s24, s5;
	_ =	swait.ge @!p0 [sflag:s26], $0x500  }
0xba: {  	p2 =	sne.s32 s24, $0x0;
	p3 =	sle.u32 s24, s5;
	[sflag:s26] =	ssyncset.done @!p0 $0x0  }
0xbb: {  	p2 =	por !p2, !p3;
	[sflag:s26] =	ssyncadd.s32 @!p0 $0xFFFFFB00;
	s26 =	simm.s32 @!p4 $0x1  }
0xbc: {  	p2 =	por !p2, !p2;
	_ =	swait.ge @!p4 [sflag:s26], $0x2800  }
0xbd: {  	s1 =	simm.s32 @!p2 $0x0;
	[sflag:s26] =	ssyncset.done @!p4 $0x0  }
0xbe: {  	s1 =	simm.s32 @p2 $0x1;
	[sflag:s26] =	ssyncadd.s32 @!p4 $0xFFFFD800;
	s26 =	simm.s32 @!p4 $0xC80  }
0xbf: {  	[spmem:s8] =	stream.linear.scatter @!p4 [tilespmem:s26], [sflag:$0x9], $0x2800, $0x38;
	[tilespmem:$0x1EC80] =	vst v63  }
0xc0: {  	[smem:$0x7FA] =	sst s1;
	s26 =	simm.s32 @p2 $0xC  }
0xc1: {  	_ =	swait.ge @p2 [sflag:s26], $0x2800  }
0xc2: {  	[sflag:s26] =	ssyncset.done @p2 $0x0  }
0xc3: {  	s28 =	sshll.u32 @p2 s0, $0x6;
	[sflag:s26] =	ssyncadd.s32 @p2 $0xFFFFD800;
	s26 =	sshrl.u32 @p2 s14, $0x3  }
0xc4: {  	s29 =	sshrl.u32 @p2 s9, $0x3;
	s28 =	sor.u32 @p2 $0x1C10, s28;
	s26 =	sadd.s32 @p2 s3, s26  }
0xc5: {  	[hbm:s26], [sflag:s28] =	dma.local @p2 [spmem:s29], $0x500  }
0xc6: {  	s29 =	sadd.s32 $0x5, s24  }
0xc7: {  	p2 =	sge.u32 s29, s5  }
0xc8: {  	v3 =	vld @!p2 [tilespmem:s21+$0xFFFFFFD8];
	_ =	sdelay $0x4  }
0xc9: {  	v4 =	vshll.u32 @!p2 v3, $0x1  }
0xca: {  	v5 =	vlaneseq.u32 @!p2;
	v3 =	vand.u32 @!p2 $0x7, v3;
	v4 =	vand.u32 @!p2 $0xFFFFFFF0, v4  }
0xcb: {  	v6 =	vshrl.u32 @!p2 v5, $0x3;
	v3 =	vor.u32 @!p2 v3, v4;
	v4 =	vand.u32 @!p2 $0x7, v5  }
0xcc: {  	v6 =	vmul.u32 @!p2 $0x8, v6;
	v7 =	vperm.xlane @!p2 v3, v4  }
0xcd: {  	v5 =	vor.u32 @!p2 $0x8, v5  }
0xce: {  	v3 =	vperm.xlane @!p2 v3, v5;
	v7 =	vadd.s32 @!p2 v6, v7;
	_ =	sdelay $0x1  }
0xcf: {  	v3 =	vadd.s32 @!p2 v6, v3;
	_ =	sdelay $0x1  }
0xd0: {  	vm1 =	vmmov @!p2 $0xffff;
	s28 =	simm.s32 @!p2 $0x0;
	s26 =	simm.s32 @!p2 $0xD480  }
0xd1: {  	[tilespmem:s26], [sflag:$0x6] =	stream.indirect_vreg.gather @!p2 [hbm4b:s2+s28], $0x80, v7, vm1, $0xb8;
	[tilespmem:$0x1EC80] =	vst v63  }
0xd2: {  	s29 =	simm.s32 @!p2 $0xDC80  }
0xd3: {  	[tilespmem:s29], [sflag:$0x6] =	stream.indirect_vreg.gather @!p2 [hbm4b:s2+s28], $0x80, v3, vm1, $0xb8;
	[tilespmem:$0x1EC80] =	vst v63  }
0xd4: {  	v3 =	vld @!p2 [tilespmem:s21+$0xFFFFFFE8];
	_ =	sdelay $0x4  }
0xd5: {  	v7 =	vshll.u32 @!p2 v3, $0x1  }
0xd6: {  	v3 =	vand.u32 @!p2 $0x7, v3;
	v7 =	vand.u32 @!p2 $0xFFFFFFF0, v7  }
0xd7: {  	v3 =	vor.u32 @!p2 v3, v7  }
0xd8: {  	v7 =	vperm.xlane @!p2 v3, v4;
	_ =	sdelay $0x1  }
0xd9: {  	v3 =	vperm.xlane @!p2 v3, v5;
	v7 =	vadd.s32 @!p2 v6, v7;
	_ =	sdelay $0x1  }
0xda: {  	v3 =	vadd.s32 @!p2 v6, v3;
	_ =	sdelay $0x1  }
0xdb: {  	s29 =	simm.s32 @!p2 $0xE480  }
0xdc: {  	[tilespmem:s29], [sflag:$0x6] =	stream.indirect_vreg.gather @!p2 [hbm4b:s2+s28], $0x80, v7, vm1, $0xb8;
	[tilespmem:$0x1EC80] =	vst v63  }
0xdd: {  	s29 =	simm.s32 @!p2 $0xEC80  }
0xde: {  	[tilespmem:s29], [sflag:$0x6] =	stream.indirect_vreg.gather @!p2 [hbm4b:s2+s28], $0x80, v3, vm1, $0xb8;
	[tilespmem:$0x1EC80] =	vst v63  }
0xdf: {  	v3 =	vld.msk @!p2 [tilespmem:s21+$0xFFFFFFF8], $0xff;
	_ =	sdelay $0x4  }
0xe0: {  	v5 =	vshll.u32 @!p2 v3, $0x1  }
0xe1: {  	v3 =	vand.u32 @!p2 $0x7, v3;
	v5 =	vand.u32 @!p2 $0xFFFFFFF0, v5  }
0xe2: {  	v3 =	vor.u32 @!p2 v3, v5  }
0xe3: {  	v3 =	vperm.xlane @!p2 v3, v4;
	_ =	sdelay $0x1  }
0xe4: {  	v3 =	vadd.s32 @!p2 v6, v3;
	_ =	sdelay $0x3  }
0xe5: {  	s29 =	simm.s32 @!p2 $0xF480  }
0xe6: {  	[tilespmem:s29], [sflag:$0x6] =	stream.indirect_vreg.gather @!p2 [hbm4b:s2+s28], $0x80, v3, vm1, $0xb8;
	[tilespmem:$0x1EC80] =	vst v63  }
0xe7: {  	s28 =	simm.s32 @!p0 $0xE  }
0xe8: {  	s30 =	sadd.s32 $0x1, s24;
	_ =	swait.ge @!p0 [sflag:s28], $0x500  }
0xe9: {  	p5 =	sge.u32 s30, s5;
	[sflag:s28] =	ssyncset.done @!p0 $0x0  }
0xea: {  	[sflag:s28] =	ssyncadd.s32 @!p0 $0xFFFFFB00;
	s28 =	simm.s32 @!p5 $0x2  }
0xeb: {  	_ =	swait.ge @!p5 [sflag:s28], $0x2800  }
0xec: {  	s1 =	simm.s32 @!p4 $0x0;
	[sflag:s28] =	ssyncset.done @!p5 $0x0  }
0xed: {  	s1 =	simm.s32 @p4 $0x1;
	[sflag:s28] =	ssyncadd.s32 @!p5 $0xFFFFD800;
	s28 =	simm.s32 @!p5 $0x3480  }
0xee: {  	[spmem:s10] =	stream.linear.scatter @!p5 [tilespmem:s28], [sflag:$0xA], $0x2800, $0x38;
	[tilespmem:$0x1EC80] =	vst v63  }
0xef: {  	[smem:$0x7FB] =	sst s1;
	s28 =	simm.s32 @!p4 $0x9  }
0xf0: {  	_ =	swait.ge @!p4 [sflag:s28], $0x2800  }
0xf1: {  	s31 =	sadd.s32 $0x6, s24;
	[sflag:s28] =	ssyncset.done @!p4 $0x0  }
0xf2: {  	s30 =	sshrl.u32 @!p4 s8, $0x3;
	[sflag:s28] =	ssyncadd.s32 @!p4 $0xFFFFD800;
	s28 =	sshll.u32 @!p4 s0, $0x6  }
0xf3: {  	p3 =	sge.u32 s31, s5;
	s29 =	sadd.s32 @!p4 s23, s13;
	s28 =	sor.u32 @!p4 $0x1C0D, s28  }
0xf4: {  	[hbm:s29], [sflag:s28] =	dma.local @!p4 [spmem:s30], $0x500  }
0xf5: {  	v3 =	vld @!p3 [tilespmem:s21+$0x0];
	_ =	sdelay $0x4  }
0xf6: {  	v4 =	vshll.u32 @!p3 v3, $0x1  }
0xf7: {  	v5 =	vlaneseq.u32 @!p3;
	v3 =	vand.u32 @!p3 $0x7, v3;
	v4 =	vand.u32 @!p3 $0xFFFFFFF0, v4  }
0xf8: {  	v6 =	vshrl.u32 @!p3 v5, $0x3;
	v3 =	vor.u32 @!p3 v3, v4;
	v4 =	vand.u32 @!p3 $0x7, v5  }
0xf9: {  	v6 =	vmul.u32 @!p3 $0x8, v6;
	v7 =	vperm.xlane @!p3 v3, v4  }
0xfa: {  	v5 =	vor.u32 @!p3 $0x8, v5  }
0xfb: {  	v3 =	vperm.xlane @!p3 v3, v5;
	v7 =	vadd.s32 @!p3 v6, v7;
	_ =	sdelay $0x1  }
0xfc: {  	v3 =	vadd.s32 @!p3 v6, v3;
	_ =	sdelay $0x1  }
0xfd: {  	vm1 =	vmmov @!p3 $0xffff;
	s29 =	simm.s32 @!p3 $0x0;
	s28 =	simm.s32 @!p3 $0xFC80  }
0xfe: {  	[tilespmem:s28], [sflag:$0x7] =	stream.indirect_vreg.gather @!p3 [hbm4b:s2+s29], $0x80, v7, vm1, $0xb8;
	[tilespmem:$0x1EC80] =	vst v63  }
0xff: {  	s30 =	simm.s32 @!p3 $0x10480  }
0x100: {  	[tilespmem:s30], [sflag:$0x7] =	stream.indirect_vreg.gather @!p3 [hbm4b:s2+s29], $0x80, v3, vm1, $0xb8;
	[tilespmem:$0x1EC80] =	vst v63  }
0x101: {  	v3 =	vld @!p3 [tilespmem:s21+$0x10];
	_ =	sdelay $0x4  }
0x102: {  	v7 =	vshll.u32 @!p3 v3, $0x1  }
0x103: {  	v3 =	vand.u32 @!p3 $0x7, v3;
	v7 =	vand.u32 @!p3 $0xFFFFFFF0, v7  }
0x104: {  	v3 =	vor.u32 @!p3 v3, v7  }
0x105: {  	v7 =	vperm.xlane @!p3 v3, v4;
	_ =	sdelay $0x1  }
0x106: {  	v3 =	vperm.xlane @!p3 v3, v5;
	v7 =	vadd.s32 @!p3 v6, v7;
	_ =	sdelay $0x1  }
0x107: {  	v3 =	vadd.s32 @!p3 v6, v3;
	_ =	sdelay $0x1  }
0x108: {  	s30 =	simm.s32 @!p3 $0x10C80  }
0x109: {  	[tilespmem:s30], [sflag:$0x7] =	stream.indirect_vreg.gather @!p3 [hbm4b:s2+s29], $0x80, v7, vm1, $0xb8;
	[tilespmem:$0x1EC80] =	vst v63  }
0x10a: {  	s30 =	simm.s32 @!p3 $0x11480  }
0x10b: {  	[tilespmem:s30], [sflag:$0x7] =	stream.indirect_vreg.gather @!p3 [hbm4b:s2+s29], $0x80, v3, vm1, $0xb8;
	[tilespmem:$0x1EC80] =	vst v63  }
0x10c: {  	v3 =	vld.msk @!p3 [tilespmem:s21+$0x20], $0xff;
	_ =	sdelay $0x4  }
0x10d: {  	v5 =	vshll.u32 @!p3 v3, $0x1  }
0x10e: {  	v3 =	vand.u32 @!p3 $0x7, v3;
	v5 =	vand.u32 @!p3 $0xFFFFFFF0, v5  }
0x10f: {  	v3 =	vor.u32 @!p3 v3, v5  }
0x110: {  	v3 =	vperm.xlane @!p3 v3, v4;
	_ =	sdelay $0x1  }
0x111: {  	v3 =	vadd.s32 @!p3 v6, v3;
	_ =	sdelay $0x1  }
0x112: {  	s30 =	rddreg [dreg:$0x5]  }
0x113: {  	p4 =	sge.u32 @!p0 s24, s30  }
0x114: {  	s30 =	simm.s32 @!p3 $0x11C80;
	p0 =	por p4, p0  }
0x115: {  	[tilespmem:s30], [sflag:$0x7] =	stream.indirect_vreg.gather @!p3 [hbm4b:s2+s29], $0x80, v3, vm1, $0xb8;
	[tilespmem:$0x1EC80] =	vst v63  }
0x116: {  	s29 =	simm.s32 @!p0 $0xF  }
0x117: {  	s1 =	sadd.s32 $0x2, s24;
	_ =	swait.ge @!p0 [sflag:s29], $0x500  }
0x118: {  	p6 =	sge.u32 s1, s5;
	[sflag:s29] =	ssyncset.done @!p0 $0x0  }
0x119: {  	[sflag:s29] =	ssyncadd.s32 @!p0 $0xFFFFFB00;
	s29 =	simm.s32 @!p6 $0x3  }
0x11a: {  	_ =	swait.ge @!p6 [sflag:s29], $0x2800  }
0x11b: {  	s1 =	simm.s32 @!p5 $0x0;
	[sflag:s29] =	ssyncset.done @!p6 $0x0  }
0x11c: {  	s1 =	simm.s32 @p5 $0x1;
	[sflag:s29] =	ssyncadd.s32 @!p6 $0xFFFFD800;
	s29 =	simm.s32 @!p6 $0x5C80  }
0x11d: {  	[spmem:s11] =	stream.linear.scatter @!p6 [tilespmem:s29], [sflag:$0xB], $0x2800, $0x38;
	[tilespmem:$0x1EC80] =	vst v63  }
0x11e: {  	[smem:$0x7FC] =	sst s1;
	s29 =	simm.s32 @!p5 $0xA  }
0x11f: {  	_ =	swait.ge @!p5 [sflag:s29], $0x2800  }
0x120: {  	[sflag:s29] =	ssyncset.done @!p5 $0x0  }
0x121: {  	s30 =	sshll.u32 @!p5 s0, $0x6;
	[sflag:s29] =	ssyncadd.s32 @!p5 $0xFFFFD800;
	s29 =	sadd.s32 @!p5 s23, s13  }
0x122: {  	s31 =	sshrl.u32 @!p5 s10, $0x3;
	s30 =	sor.u32 @!p5 $0x1C0E, s30;
	s29 =	sadd.s32 @!p5 $0x500, s29  }
0x123: {  	[hbm:s29], [sflag:s30] =	dma.local @!p5 [spmem:s31], $0x500  }
0x124: {  	s30 =	sadd.s32 $0x7, s24  }
0x125: {  	p4 =	sge.u32 s30, s5  }
0x126: {  	v3 =	vld @!p4 [tilespmem:s21+$0x28];
	_ =	sdelay $0x4  }
0x127: {  	v4 =	vshll.u32 @!p4 v3, $0x1  }
0x128: {  	v5 =	vlaneseq.u32 @!p4;
	v3 =	vand.u32 @!p4 $0x7, v3;
	v4 =	vand.u32 @!p4 $0xFFFFFFF0, v4  }
0x129: {  	v6 =	vshrl.u32 @!p4 v5, $0x3;
	v3 =	vor.u32 @!p4 v3, v4;
	v4 =	vand.u32 @!p4 $0x7, v5  }
0x12a: {  	v6 =	vmul.u32 @!p4 $0x8, v6;
	v7 =	vperm.xlane @!p4 v3, v4  }
0x12b: {  	v5 =	vor.u32 @!p4 $0x8, v5  }
0x12c: {  	v3 =	vperm.xlane @!p4 v3, v5;
	v7 =	vadd.s32 @!p4 v6, v7;
	_ =	sdelay $0x1  }
0x12d: {  	v3 =	vadd.s32 @!p4 v6, v3;
	_ =	sdelay $0x1  }
0x12e: {  	vm1 =	vmmov @!p4 $0xffff;
	s30 =	simm.s32 @!p4 $0x0;
	s29 =	simm.s32 @!p4 $0x12480  }
0x12f: {  	[tilespmem:s29], [sflag:$0x8] =	stream.indirect_vreg.gather @!p4 [hbm4b:s2+s30], $0x80, v7, vm1, $0xb8;
	[tilespmem:$0x1EC80] =	vst v63  }
0x130: {  	s31 =	simm.s32 @!p4 $0x12C80  }
0x131: {  	[tilespmem:s31], [sflag:$0x8] =	stream.indirect_vreg.gather @!p4 [hbm4b:s2+s30], $0x80, v3, vm1, $0xb8;
	[tilespmem:$0x1EC80] =	vst v63  }
0x132: {  	v3 =	vld @!p4 [tilespmem:s21+$0x38];
	_ =	sdelay $0x4  }
0x133: {  	v7 =	vshll.u32 @!p4 v3, $0x1  }
0x134: {  	v3 =	vand.u32 @!p4 $0x7, v3;
	v7 =	vand.u32 @!p4 $0xFFFFFFF0, v7  }
0x135: {  	v3 =	vor.u32 @!p4 v3, v7  }
0x136: {  	v7 =	vperm.xlane @!p4 v3, v4;
	_ =	sdelay $0x1  }
0x137: {  	v3 =	vperm.xlane @!p4 v3, v5;
	v7 =	vadd.s32 @!p4 v6, v7;
	_ =	sdelay $0x1  }
0x138: {  	v3 =	vadd.s32 @!p4 v6, v3;
	_ =	sdelay $0x1  }
0x139: {  	s31 =	simm.s32 @!p4 $0x13480  }
0x13a: {  	[tilespmem:s31], [sflag:$0x8] =	stream.indirect_vreg.gather @!p4 [hbm4b:s2+s30], $0x80, v7, vm1, $0xb8;
	[tilespmem:$0x1EC80] =	vst v63  }
0x13b: {  	s31 =	simm.s32 @!p4 $0x13C80  }
0x13c: {  	[tilespmem:s31], [sflag:$0x8] =	stream.indirect_vreg.gather @!p4 [hbm4b:s2+s30], $0x80, v3, vm1, $0xb8;
	[tilespmem:$0x1EC80] =	vst v63  }
0x13d: {  	v3 =	vld.msk @!p4 [tilespmem:s21+$0x48], $0xff;
	_ =	sdelay $0x4  }
0x13e: {  	v5 =	vshll.u32 @!p4 v3, $0x1  }
0x13f: {  	v3 =	vand.u32 @!p4 $0x7, v3;
	v5 =	vand.u32 @!p4 $0xFFFFFFF0, v5  }
0x140: {  	v3 =	vor.u32 @!p4 v3, v5  }
0x141: {  	v3 =	vperm.xlane @!p4 v3, v4;
	_ =	sdelay $0x1  }
0x142: {  	v3 =	vadd.s32 @!p4 v6, v3;
	_ =	sdelay $0x3  }
0x143: {  	s31 =	simm.s32 @!p4 $0x14480  }
0x144: {  	[tilespmem:s31], [sflag:$0x8] =	stream.indirect_vreg.gather @!p4 [hbm4b:s2+s30], $0x80, v3, vm1, $0xb8;
	[tilespmem:$0x1EC80] =	vst v63  }
0x145: {  	s31 =	sld [smem:$0x7FA];
	_ =	sdelay $0x2  }
0x146: {  	p0 =	seq.s32 s31, $0x1  }
0x147: {  	s30 =	simm.s32 @p0 $0x10  }
0x148: {  	s1 =	sadd.s32 $0x3, s24;
	_ =	swait.ge @p0 [sflag:s30], $0x500  }
0x149: {  	p5 =	sge.u32 s1, s5;
	[sflag:s30] =	ssyncset.done @p0 $0x0  }
0x14a: {  	[sflag:s30] =	ssyncadd.s32 @p0 $0xFFFFFB00;
	s30 =	simm.s32 @!p5 $0x4  }
0x14b: {  	_ =	swait.ge @!p5 [sflag:s30], $0x2800  }
0x14c: {  	[sflag:s30] =	ssyncset.done @!p5 $0x0  }
0x14d: {  	[sflag:s30] =	ssyncadd.s32 @!p5 $0xFFFFD800;
	s30 =	simm.s32 @!p5 $0x8480  }
0x14e: {  	[spmem:s9] =	stream.linear.scatter @!p5 [tilespmem:s30], [sflag:$0xC], $0x2800, $0x38;
	[tilespmem:$0x1EC80] =	vst v63  }
0x14f: {  	s30 =	simm.s32 @!p6 $0xB  }
0x150: {  	_ =	swait.ge @!p6 [sflag:s30], $0x2800  }
0x151: {  	[sflag:s30] =	ssyncset.done @!p6 $0x0  }
0x152: {  	s31 =	sshll.u32 @!p6 s0, $0x6;
	[sflag:s30] =	ssyncadd.s32 @!p6 $0xFFFFD800;
	s30 =	sadd.s32 @!p6 s23, s13  }
0x153: {  	s1 =	sshrl.u32 @!p6 s11, $0x3;
	s31 =	sor.u32 @!p6 $0x1C0F, s31;
	s30 =	sadd.s32 @!p6 $0xA00, s30  }
0x154: {  	[hbm:s30], [sflag:s31] =	dma.local @!p6 [spmem:s1], $0x500  }
0x155: {  	s30 =	sadd.s32 $0x8, s24  }
0x156: {  	p0 =	sge.u32 s30, s5  }
0x157: {  	v3 =	vld @!p0 [tilespmem:s21+$0x50];
	_ =	sdelay $0x4  }
0x158: {  	v4 =	vshll.u32 @!p0 v3, $0x1  }
0x159: {  	v5 =	vlaneseq.u32 @!p0;
	v3 =	vand.u32 @!p0 $0x7, v3;
	v4 =	vand.u32 @!p0 $0xFFFFFFF0, v4  }
0x15a: {  	v6 =	vshrl.u32 @!p0 v5, $0x3;
	v3 =	vor.u32 @!p0 v3, v4;
	v4 =	vand.u32 @!p0 $0x7, v5  }
0x15b: {  	v6 =	vmul.u32 @!p0 $0x8, v6;
	v7 =	vperm.xlane @!p0 v3, v4  }
0x15c: {  	v5 =	vor.u32 @!p0 $0x8, v5  }
0x15d: {  	v3 =	vperm.xlane @!p0 v3, v5;
	v7 =	vadd.s32 @!p0 v6, v7;
	_ =	sdelay $0x1  }
0x15e: {  	v3 =	vadd.s32 @!p0 v6, v3;
	_ =	sdelay $0x1  }
0x15f: {  	vm1 =	vmmov @!p0 $0xffff;
	s1 =	simm.s32 @!p0 $0x0;
	s31 =	simm.s32 @!p0 $0xC80  }
0x160: {  	[tilespmem:s31], [sflag:$0x1] =	stream.indirect_vreg.gather @!p0 [hbm4b:s2+s1], $0x80, v7, vm1, $0xb8;
	[tilespmem:$0x1EC80] =	vst v63  }
0x161: {  	s31 =	simm.s32 @!p0 $0x1480  }
0x162: {  	[tilespmem:s31], [sflag:$0x1] =	stream.indirect_vreg.gather @!p0 [hbm4b:s2+s1], $0x80, v3, vm1, $0xb8;
	[tilespmem:$0x1EC80] =	vst v63  }
0x163: {  	v3 =	vld @!p0 [tilespmem:s21+$0x60];
	_ =	sdelay $0x4  }
0x164: {  	v7 =	vshll.u32 @!p0 v3, $0x1  }
0x165: {  	v3 =	vand.u32 @!p0 $0x7, v3;
	v7 =	vand.u32 @!p0 $0xFFFFFFF0, v7  }
0x166: {  	v3 =	vor.u32 @!p0 v3, v7  }
0x167: {  	v7 =	vperm.xlane @!p0 v3, v4;
	_ =	sdelay $0x1  }
0x168: {  	v3 =	vperm.xlane @!p0 v3, v5;
	v7 =	vadd.s32 @!p0 v6, v7;
	_ =	sdelay $0x1  }
0x169: {  	v3 =	vadd.s32 @!p0 v6, v3;
	_ =	sdelay $0x1  }
0x16a: {  	s31 =	simm.s32 @!p0 $0x1C80  }
0x16b: {  	[tilespmem:s31], [sflag:$0x1] =	stream.indirect_vreg.gather @!p0 [hbm4b:s2+s1], $0x80, v7, vm1, $0xb8;
	[tilespmem:$0x1EC80] =	vst v63  }
0x16c: {  	s31 =	simm.s32 @!p0 $0x2480  }
0x16d: {  	[tilespmem:s31], [sflag:$0x1] =	stream.indirect_vreg.gather @!p0 [hbm4b:s2+s1], $0x80, v3, vm1, $0xb8;
	[tilespmem:$0x1EC80] =	vst v63  }
0x16e: {  	v3 =	vld.msk @!p0 [tilespmem:s21+$0x70], $0xff;
	_ =	sdelay $0x4  }
0x16f: {  	v5 =	vshll.u32 @!p0 v3, $0x1  }
0x170: {  	v3 =	vand.u32 @!p0 $0x7, v3;
	v5 =	vand.u32 @!p0 $0xFFFFFFF0, v5  }
0x171: {  	v3 =	vor.u32 @!p0 v3, v5  }
0x172: {  	v3 =	vperm.xlane @!p0 v3, v4;
	_ =	sdelay $0x1  }
0x173: {  	v3 =	vadd.s32 @!p0 v6, v3;
	_ =	sdelay $0x3  }
0x174: {  	s31 =	simm.s32 @!p0 $0x2C80  }
0x175: {  	[tilespmem:s31], [sflag:$0x1] =	stream.indirect_vreg.gather @!p0 [hbm4b:s2+s1], $0x80, v3, vm1, $0xb8;
	[tilespmem:$0x1EC80] =	vst v63  }
0x176: {  	s31 =	sld [smem:$0x7FB];
	_ =	sdelay $0x2  }
0x177: {  	p0 =	seq.s32 s31, $0x1  }
0x178: {  	s1 =	simm.s32 @!p0 $0xD  }
0x179: {  	_ =	swait.ge @!p0 [sflag:s1], $0x500  }
0x17a: {  	[sflag:s1] =	ssyncset.done @!p0 $0x0  }
0x17b: {  	[sflag:s1] =	ssyncadd.s32 @!p0 $0xFFFFFB00;
	s1 =	simm.s32 @!p1 $0x5  }
0x17c: {  	_ =	swait.ge @!p1 [sflag:s1], $0x2800  }
0x17d: {  	[sflag:s1] =	ssyncset.done @!p1 $0x0  }
0x17e: {  	[sflag:s1] =	ssyncadd.s32 @!p1 $0xFFFFD800;
	s1 =	simm.s32 @!p5 $0xC  }
0x17f: {  	[spmem:s8] =	stream.linear.scatter @!p1 [tilespmem:s25], [sflag:$0x9], $0x2800, $0x38;
	[tilespmem:$0x1EC80] =	vst v63  }
0x180: {  	_ =	swait.ge @!p5 [sflag:s1], $0x2800  }
0x181: {  	[sflag:s1] =	ssyncset.done @!p5 $0x0  }
0x182: {  	s25 =	sshll.u32 @!p5 s0, $0x6;
	[sflag:s1] =	ssyncadd.s32 @!p5 $0xFFFFD800;
	s1 =	sadd.s32 @!p5 s23, s13  }
0x183: {  	s31 =	sshrl.u32 @!p5 s9, $0x3;
	s25 =	sor.u32 @!p5 $0x1C10, s25;
	s1 =	sadd.s32 @!p5 $0xF00, s1  }
0x184: {  	[hbm:s1], [sflag:s25] =	dma.local @!p5 [spmem:s31], $0x500  }
0x185: {  	s31 =	sadd.s32 $0x9, s24  }
0x186: {  	p0 =	sge.u32 s31, s5  }
0x187: {  	v3 =	vld @!p0 [tilespmem:s21+$0x78];
	_ =	sdelay $0x4  }
0x188: {  	v4 =	vshll.u32 @!p0 v3, $0x1  }
0x189: {  	v5 =	vlaneseq.u32 @!p0;
	v3 =	vand.u32 @!p0 $0x7, v3;
	v4 =	vand.u32 @!p0 $0xFFFFFFF0, v4  }
0x18a: {  	v6 =	vshrl.u32 @!p0 v5, $0x3;
	v3 =	vor.u32 @!p0 v3, v4;
	v4 =	vand.u32 @!p0 $0x7, v5  }
0x18b: {  	v6 =	vmul.u32 @!p0 $0x8, v6;
	v7 =	vperm.xlane @!p0 v3, v4  }
0x18c: {  	v5 =	vor.u32 @!p0 $0x8, v5  }
0x18d: {  	v3 =	vperm.xlane @!p0 v3, v5;
	v7 =	vadd.s32 @!p0 v6, v7;
	_ =	sdelay $0x1  }
0x18e: {  	v3 =	vadd.s32 @!p0 v6, v3;
	_ =	sdelay $0x1  }
0x18f: {  	vm1 =	vmmov @!p0 $0xffff;
	s1 =	simm.s32 @!p0 $0x0;
	s25 =	simm.s32 @!p0 $0x3480  }
0x190: {  	[tilespmem:s25], [sflag:$0x2] =	stream.indirect_vreg.gather @!p0 [hbm4b:s2+s1], $0x80, v7, vm1, $0xb8;
	[tilespmem:$0x1EC80] =	vst v63  }
0x191: {  	s25 =	simm.s32 @!p0 $0x3C80  }
0x192: {  	[tilespmem:s25], [sflag:$0x2] =	stream.indirect_vreg.gather @!p0 [hbm4b:s2+s1], $0x80, v3, vm1, $0xb8;
	[tilespmem:$0x1EC80] =	vst v63  }
0x193: {  	v3 =	vld @!p0 [tilespmem:s21+$0x88];
	_ =	sdelay $0x4  }
0x194: {  	v7 =	vshll.u32 @!p0 v3, $0x1  }
0x195: {  	v3 =	vand.u32 @!p0 $0x7, v3;
	v7 =	vand.u32 @!p0 $0xFFFFFFF0, v7  }
0x196: {  	v3 =	vor.u32 @!p0 v3, v7  }
0x197: {  	v7 =	vperm.xlane @!p0 v3, v4;
	_ =	sdelay $0x1  }
0x198: {  	v3 =	vperm.xlane @!p0 v3, v5;
	v7 =	vadd.s32 @!p0 v6, v7;
	_ =	sdelay $0x1  }
0x199: {  	v3 =	vadd.s32 @!p0 v6, v3;
	_ =	sdelay $0x1  }
0x19a: {  	s25 =	simm.s32 @!p0 $0x4480  }
0x19b: {  	[tilespmem:s25], [sflag:$0x2] =	stream.indirect_vreg.gather @!p0 [hbm4b:s2+s1], $0x80, v7, vm1, $0xb8;
	[tilespmem:$0x1EC80] =	vst v63  }
0x19c: {  	s25 =	simm.s32 @!p0 $0x4C80  }
0x19d: {  	[tilespmem:s25], [sflag:$0x2] =	stream.indirect_vreg.gather @!p0 [hbm4b:s2+s1], $0x80, v3, vm1, $0xb8;
	[tilespmem:$0x1EC80] =	vst v63  }
0x19e: {  	v3 =	vld.msk @!p0 [tilespmem:s21+$0x98], $0xff;
	_ =	sdelay $0x4  }
0x19f: {  	v5 =	vshll.u32 @!p0 v3, $0x1  }
0x1a0: {  	v3 =	vand.u32 @!p0 $0x7, v3;
	v5 =	vand.u32 @!p0 $0xFFFFFFF0, v5  }
0x1a1: {  	v3 =	vor.u32 @!p0 v3, v5  }
0x1a2: {  	v3 =	vperm.xlane @!p0 v3, v4;
	_ =	sdelay $0x1  }
0x1a3: {  	v3 =	vadd.s32 @!p0 v6, v3;
	_ =	sdelay $0x3  }
0x1a4: {  	s25 =	simm.s32 @!p0 $0x5480  }
0x1a5: {  	[tilespmem:s25], [sflag:$0x2] =	stream.indirect_vreg.gather @!p0 [hbm4b:s2+s1], $0x80, v3, vm1, $0xb8;
	[tilespmem:$0x1EC80] =	vst v63  }
0x1a6: {  	s25 =	sld [smem:$0x7FC];
	_ =	sdelay $0x2  }
0x1a7: {  	p0 =	seq.s32 s25, $0x1  }
0x1a8: {  	s1 =	simm.s32 @!p0 $0xE  }
0x1a9: {  	_ =	swait.ge @!p0 [sflag:s1], $0x500  }
0x1aa: {  	[sflag:s1] =	ssyncset.done @!p0 $0x0  }
0x1ab: {  	[sflag:s1] =	ssyncadd.s32 @!p0 $0xFFFFFB00;
	s1 =	simm.s32 @!p2 $0x6  }
0x1ac: {  	_ =	swait.ge @!p2 [sflag:s1], $0x2800  }
0x1ad: {  	[sflag:s1] =	ssyncset.done @!p2 $0x0  }
0x1ae: {  	[sflag:s1] =	ssyncadd.s32 @!p2 $0xFFFFD800;
	s1 =	simm.s32 @!p1 $0x9  }
0x1af: {  	[spmem:s10] =	stream.linear.scatter @!p2 [tilespmem:s26], [sflag:$0xA], $0x2800, $0x38;
	[tilespmem:$0x1EC80] =	vst v63  }
0x1b0: {  	_ =	swait.ge @!p1 [sflag:s1], $0x2800  }
0x1b1: {  	[sflag:s1] =	ssyncset.done @!p1 $0x0  }
0x1b2: {  	s25 =	sshll.u32 @!p1 s0, $0x6;
	[sflag:s1] =	ssyncadd.s32 @!p1 $0xFFFFD800;
	s1 =	sadd.s32 @!p1 s23, s13  }
0x1b3: {  	s25 =	sor.u32 @!p1 $0x1C0D, s25;
	s26 =	sshrl.u32 @!p1 s8, $0x3;
	s1 =	sadd.s32 @!p1 $0x1400, s1  }
0x1b4: {  	[hbm:s1], [sflag:s25] =	dma.local @!p1 [spmem:s26], $0x500  }
0x1b5: {  	s26 =	sadd.s32 $0xA, s24  }
0x1b6: {  	p0 =	sge.u32 s26, s5  }
0x1b7: {  	v3 =	vld @!p0 [tilespmem:s21+$0xA0];
	_ =	sdelay $0x4  }
0x1b8: {  	v4 =	vshll.u32 @!p0 v3, $0x1  }
0x1b9: {  	v5 =	vlaneseq.u32 @!p0;
	v3 =	vand.u32 @!p0 $0x7, v3;
	v4 =	vand.u32 @!p0 $0xFFFFFFF0, v4  }
0x1ba: {  	v6 =	vshrl.u32 @!p0 v5, $0x3;
	v3 =	vor.u32 @!p0 v3, v4;
	v4 =	vand.u32 @!p0 $0x7, v5  }
0x1bb: {  	v6 =	vmul.u32 @!p0 $0x8, v6;
	v7 =	vperm.xlane @!p0 v3, v4  }
0x1bc: {  	v5 =	vor.u32 @!p0 $0x8, v5  }
0x1bd: {  	v3 =	vperm.xlane @!p0 v3, v5;
	v7 =	vadd.s32 @!p0 v6, v7;
	_ =	sdelay $0x1  }
0x1be: {  	v3 =	vadd.s32 @!p0 v6, v3;
	_ =	sdelay $0x1  }
0x1bf: {  	vm1 =	vmmov @!p0 $0xffff;
	s1 =	simm.s32 @!p0 $0x0;
	s25 =	simm.s32 @!p0 $0x5C80  }
0x1c0: {  	[tilespmem:s25], [sflag:$0x3] =	stream.indirect_vreg.gather @!p0 [hbm4b:s2+s1], $0x80, v7, vm1, $0xb8;
	[tilespmem:$0x1EC80] =	vst v63  }
0x1c1: {  	s25 =	simm.s32 @!p0 $0x6480  }
0x1c2: {  	[tilespmem:s25], [sflag:$0x3] =	stream.indirect_vreg.gather @!p0 [hbm4b:s2+s1], $0x80, v3, vm1, $0xb8;
	[tilespmem:$0x1EC80] =	vst v63  }
0x1c3: {  	v3 =	vld @!p0 [tilespmem:s21+$0xB0];
	_ =	sdelay $0x4  }
0x1c4: {  	v7 =	vshll.u32 @!p0 v3, $0x1  }
0x1c5: {  	v3 =	vand.u32 @!p0 $0x7, v3;
	v7 =	vand.u32 @!p0 $0xFFFFFFF0, v7  }
0x1c6: {  	v3 =	vor.u32 @!p0 v3, v7  }
0x1c7: {  	v7 =	vperm.xlane @!p0 v3, v4;
	_ =	sdelay $0x1  }
0x1c8: {  	v3 =	vperm.xlane @!p0 v3, v5;
	v7 =	vadd.s32 @!p0 v6, v7;
	_ =	sdelay $0x1  }
0x1c9: {  	v3 =	vadd.s32 @!p0 v6, v3;
	_ =	sdelay $0x1  }
0x1ca: {  	s25 =	simm.s32 @!p0 $0x6C80  }
0x1cb: {  	[tilespmem:s25], [sflag:$0x3] =	stream.indirect_vreg.gather @!p0 [hbm4b:s2+s1], $0x80, v7, vm1, $0xb8;
	[tilespmem:$0x1EC80] =	vst v63  }
0x1cc: {  	s25 =	simm.s32 @!p0 $0x7480  }
0x1cd: {  	[tilespmem:s25], [sflag:$0x3] =	stream.indirect_vreg.gather @!p0 [hbm4b:s2+s1], $0x80, v3, vm1, $0xb8;
	[tilespmem:$0x1EC80] =	vst v63  }
0x1ce: {  	v3 =	vld.msk @!p0 [tilespmem:s21+$0xC0], $0xff;
	_ =	sdelay $0x4  }
0x1cf: {  	v5 =	vshll.u32 @!p0 v3, $0x1  }
0x1d0: {  	v3 =	vand.u32 @!p0 $0x7, v3;
	v5 =	vand.u32 @!p0 $0xFFFFFFF0, v5  }
0x1d1: {  	v3 =	vor.u32 @!p0 v3, v5  }
0x1d2: {  	v3 =	vperm.xlane @!p0 v3, v4;
	_ =	sdelay $0x1  }
0x1d3: {  	v3 =	vadd.s32 @!p0 v6, v3;
	_ =	sdelay $0x3  }
0x1d4: {  	s25 =	simm.s32 @!p0 $0x7C80  }
0x1d5: {  	[tilespmem:s25], [sflag:$0x3] =	stream.indirect_vreg.gather @!p0 [hbm4b:s2+s1], $0x80, v3, vm1, $0xb8;
	[tilespmem:$0x1EC80] =	vst v63  }
0x1d6: {  	s1 =	simm.s32 @!p6 $0xF  }
0x1d7: {  	_ =	swait.ge @!p6 [sflag:s1], $0x500  }
0x1d8: {  	[sflag:s1] =	ssyncset.done @!p6 $0x0  }
0x1d9: {  	[sflag:s1] =	ssyncadd.s32 @!p6 $0xFFFFFB00;
	s1 =	simm.s32 @!p3 $0x7  }
0x1da: {  	_ =	swait.ge @!p3 [sflag:s1], $0x2800  }
0x1db: {  	[sflag:s1] =	ssyncset.done @!p3 $0x0  }
0x1dc: {  	[sflag:s1] =	ssyncadd.s32 @!p3 $0xFFFFD800;
	s1 =	simm.s32 @!p2 $0xA  }
0x1dd: {  	[spmem:s11] =	stream.linear.scatter @!p3 [tilespmem:s28], [sflag:$0xB], $0x2800, $0x38;
	[tilespmem:$0x1EC80] =	vst v63  }
0x1de: {  	_ =	swait.ge @!p2 [sflag:s1], $0x2800  }
0x1df: {  	s31 =	sadd.s32 $0xB, s24;
	s26 =	sshrl.u32 @!p2 s10, $0x3;
	[sflag:s1] =	ssyncset.done @!p2 $0x0  }
0x1e0: {  	s25 =	sshll.u32 @!p2 s0, $0x6;
	[sflag:s1] =	ssyncadd.s32 @!p2 $0xFFFFD800;
	s1 =	sadd.s32 @!p2 s23, s13  }
0x1e1: {  	p0 =	sge.u32 s31, s5;
	s25 =	sor.u32 @!p2 $0x1C0E, s25;
	s1 =	sadd.s32 @!p2 $0x1900, s1  }
0x1e2: {  	[hbm:s1], [sflag:s25] =	dma.local @!p2 [spmem:s26], $0x500  }
0x1e3: {  	v3 =	vld @!p0 [tilespmem:s21+$0xC8];
	_ =	sdelay $0x4  }
0x1e4: {  	v4 =	vshll.u32 @!p0 v3, $0x1  }
0x1e5: {  	v5 =	vlaneseq.u32 @!p0;
	v3 =	vand.u32 @!p0 $0x7, v3;
	v4 =	vand.u32 @!p0 $0xFFFFFFF0, v4  }
0x1e6: {  	v6 =	vshrl.u32 @!p0 v5, $0x3;
	v3 =	vor.u32 @!p0 v3, v4;
	v4 =	vand.u32 @!p0 $0x7, v5  }
0x1e7: {  	v6 =	vmul.u32 @!p0 $0x8, v6;
	v7 =	vperm.xlane @!p0 v3, v4  }
0x1e8: {  	v5 =	vor.u32 @!p0 $0x8, v5  }
0x1e9: {  	v3 =	vperm.xlane @!p0 v3, v5;
	v7 =	vadd.s32 @!p0 v6, v7;
	_ =	sdelay $0x1  }
0x1ea: {  	v3 =	vadd.s32 @!p0 v6, v3;
	_ =	sdelay $0x1  }
0x1eb: {  	vm1 =	vmmov @!p0 $0xffff;
	s24 =	simm.s32 @!p0 $0x8480;
	s1 =	simm.s32 @!p0 $0x0  }
0x1ec: {  	[tilespmem:s24], [sflag:$0x4] =	stream.indirect_vreg.gather @!p0 [hbm4b:s2+s1], $0x80, v7, vm1, $0xb8;
	[tilespmem:$0x1EC80] =	vst v63  }
0x1ed: {  	s24 =	simm.s32 @!p0 $0x8C80  }
0x1ee: {  	[tilespmem:s24], [sflag:$0x4] =	stream.indirect_vreg.gather @!p0 [hbm4b:s2+s1], $0x80, v3, vm1, $0xb8;
	[tilespmem:$0x1EC80] =	vst v63  }
0x1ef: {  	v3 =	vld @!p0 [tilespmem:s21+$0xD8];
	_ =	sdelay $0x4  }
0x1f0: {  	v7 =	vshll.u32 @!p0 v3, $0x1  }
0x1f1: {  	v3 =	vand.u32 @!p0 $0x7, v3;
	v7 =	vand.u32 @!p0 $0xFFFFFFF0, v7  }
0x1f2: {  	v3 =	vor.u32 @!p0 v3, v7  }
0x1f3: {  	v7 =	vperm.xlane @!p0 v3, v4;
	_ =	sdelay $0x1  }
0x1f4: {  	v3 =	vperm.xlane @!p0 v3, v5;
	v7 =	vadd.s32 @!p0 v6, v7;
	_ =	sdelay $0x1  }
0x1f5: {  	v3 =	vadd.s32 @!p0 v6, v3;
	_ =	sdelay $0x1  }
0x1f6: {  	s24 =	simm.s32 @!p0 $0x9480  }
0x1f7: {  	[tilespmem:s24], [sflag:$0x4] =	stream.indirect_vreg.gather @!p0 [hbm4b:s2+s1], $0x80, v7, vm1, $0xb8;
	[tilespmem:$0x1EC80] =	vst v63  }
0x1f8: {  	s24 =	simm.s32 @!p0 $0x9C80  }
0x1f9: {  	[tilespmem:s24], [sflag:$0x4] =	stream.indirect_vreg.gather @!p0 [hbm4b:s2+s1], $0x80, v3, vm1, $0xb8;
	[tilespmem:$0x1EC80] =	vst v63  }
0x1fa: {  	v3 =	vld.msk @!p0 [tilespmem:s21+$0xE8], $0xff;
	_ =	sdelay $0x4  }
0x1fb: {  	v5 =	vshll.u32 @!p0 v3, $0x1  }
0x1fc: {  	v3 =	vand.u32 @!p0 $0x7, v3;
	v5 =	vand.u32 @!p0 $0xFFFFFFF0, v5  }
0x1fd: {  	v3 =	vor.u32 @!p0 v3, v5  }
0x1fe: {  	v3 =	vperm.xlane @!p0 v3, v4;
	_ =	sdelay $0x1  }
0x1ff: {  	v3 =	vadd.s32 @!p0 v6, v3;
	_ =	sdelay $0x3  }
0x200: {  	s24 =	simm.s32 @!p0 $0xA480  }
0x201: {  	[tilespmem:s24], [sflag:$0x4] =	stream.indirect_vreg.gather @!p0 [hbm4b:s2+s1], $0x80, v3, vm1, $0xb8;
	[tilespmem:$0x1EC80] =	vst v63  }
0x202: {  	s1 =	simm.s32 @!p5 $0x10  }
0x203: {  	_ =	swait.ge @!p5 [sflag:s1], $0x500  }
0x204: {  	[sflag:s1] =	ssyncset.done @!p5 $0x0  }
0x205: {  	[sflag:s1] =	ssyncadd.s32 @!p5 $0xFFFFFB00;
	s1 =	simm.s32 @!p4 $0x8  }
0x206: {  	_ =	swait.ge @!p4 [sflag:s1], $0x2800  }
0x207: {  	[sflag:s1] =	ssyncset.done @!p4 $0x0  }
0x208: {  	[sflag:s1] =	ssyncadd.s32 @!p4 $0xFFFFD800;
	s1 =	simm.s32 @!p3 $0xB  }
0x209: {  	[spmem:s9] =	stream.linear.scatter @!p4 [tilespmem:s29], [sflag:$0xC], $0x2800, $0x38;
	[tilespmem:$0x1EC80] =	vst v63  }
0x20a: {  	p0 =	sne.s32 s30, $0x58;
	_ =	swait.ge @!p3 [sflag:s1], $0x2800  }
.Ltmp0:
0x20b: {  	s14 =	sadd.s32 $0x14000, s14;
	[sflag:s1] =	ssyncset.done @!p3 $0x0;
	(pc) =	sbr.rel @p0 .LBB2_2-.Ltmp0, $4  }
0x20c: {  	s24 =	sshll.u32 @!p3 s0, $0x6;
	[sflag:s1] =	ssyncadd.s32 @!p3 $0xFFFFD800;
	s1 =	sadd.s32 @!p3 s23, s13  }
0x20d: {  	s25 =	sshrl.u32 @!p3 s11, $0x3;
	s24 =	sor.u32 @!p3 $0x1C0F, s24;
	s1 =	sadd.s32 @!p3 $0x1E00, s1  }
0x20e: {  	[hbm:s1], [sflag:s24] =	dma.local @!p3 [spmem:s25], $0x500  }
0x20f: {  	s21 =	sadd.s32 $0x140, s21;
	s23 =	sadd.s32 $0x2800, s23;
	s24 =	smov.u32 s30  }
0x210: {  	s20 =	sadd.s32 $0x1, s20  }
0x211: {  	p0 =	sne.s32 s20, s12  }
.Ltmp1:
0x212: {  	_ = 	snop;
	(pc) =	sbr.rel @p0 .LBB2_1-.Ltmp1, $1  }
0x213: {  	_ =	sdelay $0x3  }
0x214: {  	_ =	sfence.sel $0x180000  }
0x215: {  	[bflag:$0x0] =	sbarrier.arrive $0xFFFF  }
0x216: {  	_ =	strace $0x90000047  }
0x217: {  	[bflag:$0x2] =	sbarrier.arrive $0xFFFF  }
0x218: {  	p0 =	sne.s32 s0, $0x0;
	s0 =	rddreg [dreg:$0x4]  }
0x219: {  	s0 =	sadd.s32 @!p0 $0x100000, s0  }
0x21a: {  	[sflag:s0] =	ssyncadd.tile.s32 @!p0 $0x1;
	_ =	shalt  }
.Lfunc_end2:
_tile_overlayer_lowered:
.L_overlay_start_2:
0x21b: {  	(tag) =	ssettag $0x2  }
0x21c: {  	s0 =	rddreg [dreg:$0x0];
	s2 =	stileid.u32  }
0x21d: {  	s1 =	rddreg [dreg:$0x1];
	p0 =	sne.s32 s2, $0x0  }
0x21e: {  	s3 =	rddreg [dreg:$0x2];
	[bflag:$0x3] =	sbarrier.arrive $0xFFFF;
	s2 =	simm.s32 @!p0 $0x1C11  }
0x21f: {  	[timem:s3], [sflag:s2] =	dma.local @!p0 [hbm:s0], s1  }
0x220: {  	s0 =	simm.s32 @!p0 $0x11  }
0x221: {  	_ =	swait.ge @!p0 [sflag:s0], s1  }
0x222: {  	s1 =	ssub.s32 @!p0 $0x0, s1;
	[sflag:s0] =	ssyncset.done @!p0 $0x0  }
0x223: {  	[sflag:s0] =	ssyncadd.s32 @!p0 s1  }
0x224: {  	[bflag:$0x3] =	sbarrier.arrive $0xFFFF  }
0x225: {  	_ =	shalt  }

</sc_bundles>
